<compile_context>
chip_gen: v7x
topology: tpu7x:2x2x1
jax: 0.10.2.dev20260603
libtpu: 0.0.44.dev20260713+nightly
codegen_flags: <defaults>
</compile_context>

<pallas_src>
import functools

import jax
import jax.numpy as jnp
from jax import lax
from jax.experimental import pallas as pl
from jax.experimental.pallas import tpu as pltpu
from jax.experimental.pallas import tpu_sc as plsc

N = 10000
E = 320000
D_IN = 128
D_H = 64

NC = 2
NS = 16
L = 16
NW = NC * NS

EPW = E // NW
K = 128
T_CH = EPW // K
TAIL = EPW - T_CH * K
N_PAD = 10240
HR = N_PAD // L
RPT = N_PAD // NS
CK = 128


@functools.cache
def _sc_degree_kernel():
    mesh = plsc.VectorSubcoreMesh(core_axis_name="c", subcore_axis_name="s")
    return pl.kernel(
        _sc_degree_body,
        out_type=jax.ShapeDtypeStruct((NC, N_PAD), jnp.float32),
        mesh=mesh,
        scratch_types=[
            pltpu.VMEM((EPW,), jnp.int32),
            pltpu.VMEM((N_PAD,), jnp.float32),
            pltpu.VMEM((N_PAD // CK, CK), jnp.int32),
            pltpu.VMEM_SHARED((N_PAD,), jnp.float32),
        ],
        compiler_params=pltpu.CompilerParams(
            needs_layout_passes=False, use_tc_tiling_on_sc=False),
    )


def _sc_degree_body(ei_hbm, out_hbm, dst_v, hist_v, row_idx, acc):
    c = lax.axis_index("c")
    s = lax.axis_index("s")
    w = c * NS + s
    zeros16 = jnp.zeros((L,), jnp.float32)
    ones16 = jnp.full((L,), 1.0, jnp.float32)
    iota16 = lax.iota(jnp.int32, L)

    def zero_row(i, _):
        hist_v[pl.ds(i * L, L)] = zeros16
        return 0
    lax.fori_loop(0, HR, zero_row, 0)

    pltpu.sync_copy(hist_v.at[pl.ds(0, N_PAD // NS)],
                    acc.at[pl.ds(s * (N_PAD // NS), N_PAD // NS)])

    def ri(j, _):
        def rk(kk, _):
            row_idx[j, pl.ds(kk * L, L)] = j * CK + kk * L + iota16
            return 0
        return lax.fori_loop(0, CK // L, rk, 0)
    lax.fori_loop(0, N_PAD // CK, ri, 0)

    plsc.subcore_barrier()

    pltpu.sync_copy(ei_hbm.at[1, pl.ds(w * EPW, EPW)], dst_v)

    def body(i, _):
        for u in range(8):
            idx = dst_v[pl.ds((i * 8 + u) * L, L)]
            plsc.addupdate_scatter(hist_v, [idx], ones16)
        return 0
    lax.fori_loop(0, EPW // (8 * L), body, 0)
    for u in range(EPW // L - (EPW // (8 * L)) * 8):
        idx = dst_v[pl.ds(((EPW // (8 * L)) * 8 + u) * L, L)]
        plsc.addupdate_scatter(hist_v, [idx], ones16)

    def comb(j, _):
        pltpu.sync_copy(hist_v.at[pl.ds(j * CK, CK)],
                        acc.at[row_idx.at[j]], add=True)
        return 0
    lax.fori_loop(0, N_PAD // CK, comb, 0)

    plsc.subcore_barrier()
    pltpu.sync_copy(acc.at[pl.ds(s * (N_PAD // NS), N_PAD // NS)],
                    out_hbm.at[c, pl.ds(s * (N_PAD // NS), N_PAD // NS)])


@functools.cache
def _sc_scatter_kernel():
    mesh = plsc.VectorSubcoreMesh(core_axis_name="c", subcore_axis_name="s")
    return pl.kernel(
        _sc_scatter_body,
        out_type=jax.ShapeDtypeStruct((NC, N_PAD, D_H), jnp.float32),
        mesh=mesh,
        scratch_types=[
            pltpu.VMEM((EPW,), jnp.int32),
            pltpu.VMEM((EPW,), jnp.int32),
            pltpu.VMEM((2, K, D_H), jnp.float32),
            pltpu.VMEM((64, D_H), jnp.float32),
            pltpu.VMEM_SHARED((N_PAD, D_H), jnp.float32),
            pltpu.SemaphoreType.DMA,
            pltpu.SemaphoreType.DMA,
        ],
        compiler_params=pltpu.CompilerParams(
            needs_layout_passes=False, use_tc_tiling_on_sc=False),
    )


def _sc_scatter_body(g_hbm, ei_hbm, out_hbm,
                     src_v, dst_v, rows2, zbuf, acc, sem_g, sem_s):
    c = lax.axis_index("c")
    s = lax.axis_index("s")
    w = c * NS + s
    zeros16 = jnp.zeros((L,), jnp.float32)

    def zrow(i, _):
        def zcol(kk, _):
            zbuf[i, pl.ds(kk * L, L)] = zeros16
            return 0
        return lax.fori_loop(0, D_H // L, zcol, 0)
    lax.fori_loop(0, 64, zrow, 0)

    def zc(i, _):
        pltpu.sync_copy(zbuf, acc.at[pl.ds(s * RPT + i * 64, 64)])
        return 0
    lax.fori_loop(0, RPT // 64, zc, 0)

    plsc.subcore_barrier()

    pltpu.sync_copy(ei_hbm.at[0, pl.ds(w * EPW, EPW)], src_v)
    pltpu.sync_copy(ei_hbm.at[1, pl.ds(w * EPW, EPW)], dst_v)

    def gather(j, b):
        pltpu.async_copy(g_hbm.at[src_v.at[pl.ds(j * K, K)]],
                         rows2.at[b], sem_g).wait()

    def scat_start(j, b):
        pltpu.async_copy(rows2.at[b], acc.at[dst_v.at[pl.ds(j * K, K)]],
                         sem_s, add=True)

    def scat_wait(j, b):
        pltpu.make_async_copy(rows2.at[b],
                              acc.at[dst_v.at[pl.ds(j * K, K)]],
                              sem_s).wait()

    gather(0, 0)

    def body(jj, _):
        j = 2 * jj
        scat_start(j, 0)
        gather(j + 1, 1)
        scat_wait(j, 0)
        scat_start(j + 1, 1)
        gather(j + 2, 0)
        scat_wait(j + 1, 1)
        return 0
    lax.fori_loop(0, (T_CH - 2) // 2, body, 0)

    scat_start(T_CH - 2, 0)
    gather(T_CH - 1, 1)
    scat_wait(T_CH - 2, 0)
    scat_start(T_CH - 1, 1)
    pltpu.async_copy(g_hbm.at[src_v.at[pl.ds(T_CH * K, TAIL)]],
                     rows2.at[0].at[pl.ds(0, TAIL)], sem_g).wait()
    scat_wait(T_CH - 1, 1)
    pltpu.sync_copy(rows2.at[0].at[pl.ds(0, TAIL)],
                    acc.at[dst_v.at[pl.ds(T_CH * K, TAIL)]], add=True)

    plsc.subcore_barrier()
    pltpu.sync_copy(acc.at[pl.ds(s * RPT, RPT)],
                    out_hbm.at[c, pl.ds(s * RPT, RPT)])



_R = 2048
_G = -(-N // _R)


def _dis_col(d_ref):
    deg = d_ref[0:1, :] + d_ref[1:2, :] + 1.0
    dis = lax.rsqrt(deg)
    return jnp.reshape(dis, (_R, 1))


def _tc1a_body(x_ref, w_ref, h_ref):
    h_ref[...] = jnp.dot(x_ref[...], w_ref[...],
                         preferred_element_type=jnp.float32)


def _tc1a(x, W1):
    return pl.pallas_call(
        _tc1a_body,
        grid=(_G,),
        in_specs=[
            pl.BlockSpec((_R, D_IN), lambda m: (m, 0)),
            pl.BlockSpec((D_IN, D_H), lambda m: (0, 0)),
        ],
        out_specs=pl.BlockSpec((_R, D_H), lambda m: (m, 0)),
        out_shape=jax.ShapeDtypeStruct((N, D_H), jnp.float32),
    )(x, W1)


def _tc1b_body(h_ref, d_ref, g_ref):
    g_ref[...] = h_ref[...] * _dis_col(d_ref)


def _tc1b(h, deg):
    return pl.pallas_call(
        _tc1b_body,
        grid=(_G,),
        in_specs=[
            pl.BlockSpec((_R, D_H), lambda m: (m, 0)),
            pl.BlockSpec((NC, _R), lambda m: (0, m)),
        ],
        out_specs=pl.BlockSpec((_R, D_H), lambda m: (m, 0)),
        out_shape=jax.ShapeDtypeStruct((N, D_H), jnp.float32),
    )(h, deg)


def _tc2_body(p_ref, g1_ref, d_ref, b1_ref, w2_ref, g2_ref):
    dis = _dis_col(d_ref)
    agg = p_ref[0] + p_ref[1] + g1_ref[...]
    h = jnp.maximum(agg * dis + b1_ref[0:1, :], 0.0)
    g2_ref[...] = jnp.dot(h, w2_ref[...],
                          preferred_element_type=jnp.float32) * dis


def _tc2(p, g1, deg, b1r, W2):
    return pl.pallas_call(
        _tc2_body,
        grid=(_G,),
        in_specs=[
            pl.BlockSpec((NC, _R, D_H), lambda m: (0, m, 0)),
            pl.BlockSpec((_R, D_H), lambda m: (m, 0)),
            pl.BlockSpec((NC, _R), lambda m: (0, m)),
            pl.BlockSpec((8, D_H), lambda m: (0, 0)),
            pl.BlockSpec((D_H, D_H), lambda m: (0, 0)),
        ],
        out_specs=pl.BlockSpec((_R, D_H), lambda m: (m, 0)),
        out_shape=jax.ShapeDtypeStruct((N, D_H), jnp.float32),
    )(p, g1, deg, b1r, W2)


def _tc3_body(p_ref, g2_ref, d_ref, b2_ref, wc_ref, bc_ref, y_ref):
    dis = _dis_col(d_ref)
    agg = p_ref[0] + p_ref[1] + g2_ref[...]
    h = jnp.maximum(agg * dis + b2_ref[0:1, :], 0.0)
    z = jnp.dot(h, wc_ref[...],
                preferred_element_type=jnp.float32) + bc_ref[0:1, 0:1]
    y_ref[...] = jax.nn.sigmoid(z)


def _tc3(p, g2, deg, b2r, Wc, bcr):
    return pl.pallas_call(
        _tc3_body,
        grid=(_G,),
        in_specs=[
            pl.BlockSpec((NC, _R, D_H), lambda m: (0, m, 0)),
            pl.BlockSpec((_R, D_H), lambda m: (m, 0)),
            pl.BlockSpec((NC, _R), lambda m: (0, m)),
            pl.BlockSpec((8, D_H), lambda m: (0, 0)),
            pl.BlockSpec((D_H, 1), lambda m: (0, 0)),
            pl.BlockSpec((8, 1), lambda m: (0, 0)),
        ],
        out_specs=pl.BlockSpec((_R, 1), lambda m: (m, 0)),
        out_shape=jax.ShapeDtypeStruct((N, 1), jnp.float32),
    )(p, g2, deg, b2r, Wc, bcr)



def kernel(x, edge_index, W1, b1, W2, b2, Wc, bc):
    ei = edge_index.astype(jnp.int32)

    h1 = _tc1a(x, W1)
    deg = _sc_degree_kernel()(ei)
    g1 = _tc1b(h1, deg)

    b1r = jnp.broadcast_to(b1[None, :], (8, D_H))
    b2r = jnp.broadcast_to(b2[None, :], (8, D_H))
    bcr = jnp.broadcast_to(bc[None, :], (8, 1))

    p = _sc_scatter_kernel()(g1, ei)
    g2 = _tc2(p, g1, deg, b1r, W2)

    q = _sc_scatter_kernel()(g2, ei)
    y = _tc3(q, g2, deg, b2r, Wc, bcr)
    return y

# --- scband reference (transcript-rebuilt; emitter-appended) ---
"""Pipeline reference for scband-gcnclassifier-82119774699583 (READ-ONLY COPY).

The authoritative reference and input builder live on the scoring server;
editing this copy changes nothing except your own understanding.
"""

import jax, jax.numpy as jnp
import numpy as np

N = 10000
E = 320000
D_IN = 128
D_H = 64


def setup_inputs(seed: int = 0) -> dict:
    key = jax.random.key(seed)
    ks = jax.random.split(key, 8)
    x = jax.random.normal(ks[0], (N, D_IN), dtype=jnp.float32)
    edge_index = jax.random.randint(ks[1], (2, E), 0, N)
    W1 = jax.random.normal(ks[2], (D_IN, D_H), dtype=jnp.float32) * (1.0 / np.sqrt(D_IN))
    b1 = jnp.zeros((D_H,), dtype=jnp.float32)
    W2 = jax.random.normal(ks[3], (D_H, D_H), dtype=jnp.float32) * (1.0 / np.sqrt(D_H))
    b2 = jnp.zeros((D_H,), dtype=jnp.float32)
    Wc = jax.random.normal(ks[4], (D_H, 1), dtype=jnp.float32) * (1.0 / np.sqrt(D_H))
    bc = jnp.zeros((1,), dtype=jnp.float32)
    return {"x": x, "edge_index": edge_index, "W1": W1, "b1": b1, "W2": W2, "b2": b2, "Wc": Wc, "bc": bc}


def _gcn_conv(x, edge_index, W, b):
    # PyG GCNConv: add self-loops, symmetric normalization D^{-1/2}(A+I)D^{-1/2}, then linear
    n = x.shape[0]
    loop = jnp.arange(n, dtype=edge_index.dtype)
    src = jnp.concatenate([edge_index[0], loop])
    dst = jnp.concatenate([edge_index[1], loop])
    deg = jax.ops.segment_sum(jnp.ones_like(dst, dtype=x.dtype), dst, num_segments=n)
    deg_inv_sqrt = jnp.where(deg > 0, 1.0 / jnp.sqrt(deg), 0.0)
    norm = deg_inv_sqrt[src] * deg_inv_sqrt[dst]
    h = x @ W
    msg = h[src] * norm[:, None]
    out = jax.ops.segment_sum(msg, dst, num_segments=n)
    return out + b


def reference(x, edge_index, W1, b1, W2, b2, Wc, bc):
    h = jax.nn.relu(_gcn_conv(x, edge_index, W1, b1))
    h = jax.nn.relu(_gcn_conv(h, edge_index, W2, b2))
    return jax.nn.sigmoid(h @ Wc + bc)

if __name__ == "__main__":
    import jax
    _d = setup_inputs()
    print(jax.jit(kernel)(*tuple(_d.values())))

</pallas_src>

<mosaic_0001>
#map = affine_map<(d0, d1) -> (0, 0)>
module attributes {stable_mosaic.version = 14 : i64} {
  func.func @_sc_degree_body(%arg0: i32, %arg1: i32, %arg2: memref<2x320000xi32, #tpu.memory_space<hbm>>, %arg3: memref<2x10240xf32, #tpu.memory_space<hbm>>, %arg4: memref<10000xi32, #tpu.memory_space<vmem>>, %arg5: memref<10240xf32, #tpu.memory_space<vmem>>, %arg6: memref<80x128xi32, #tpu.memory_space<vmem>>, %arg7: memref<10240xf32, #tpu.memory_space<vmem_shared>>) attributes {dimension_semantics = [#tpu.dimension_semantics<core_parallel>, #tpu.dimension_semantics<subcore_parallel>], iteration_bounds = array<i64: 2, 16>, scalar_prefetch = 0 : i64, scratch_operands = 4 : i64, tpu.core_type = #tpu.core_type<sc_vector_subcore>, window_params = [{transform_indices = #map}, {transform_indices = #map}]} {
    %mul3A = arith.constant 16 : i32
    %mul3A_0 = arith.muli %arg0, %mul3A : i32
    %add3A = arith.addi %mul3A_0, %arg1 : i32
    %broadcast_in_dim3A = arith.constant 0.000000e+00 : f32
    %broadcast_in_dim3A_1 = vector.broadcast %broadcast_in_dim3A : f32 to vector<16xf32>
    %broadcast_in_dim3A_2 = arith.constant 1.000000e+00 : f32
    %broadcast_in_dim3A_3 = vector.broadcast %broadcast_in_dim3A_2 : f32 to vector<16xf32>
    %iota3A = tpu.iota {dimensions = array<i32: 0>} : vector<16xi32>
    %scan3A = arith.constant 0 : i32
    %scan3A_4 = arith.constant 0 : i32
    %scan3A_5 = arith.constant 640 : i32
    %scan3A_6 = arith.addi %scan3A_4, %scan3A_5 : i32
    %scan3A_7 = arith.constant 1 : i32
    %scan3A_8 = scf.for %scan3A_41 = %scan3A_4 to %scan3A_6 step %scan3A_7 iter_args(%scan3A_42 = %scan3A) -> (i32)  : i32 {
      %mul3A_43 = arith.constant 16 : i32
      %mul3A_44 = arith.muli %scan3A_41, %mul3A_43 : i32
      %swap3A = arith.index_cast %mul3A_44 : i32 to index
      %swap3A_45 = tpu.vector_load %arg5[%swap3A] {strides = array<i32>} : memref<10240xf32, #tpu.memory_space<vmem>>, vector<16xf32>,
      tpu.vector_store %arg5[%swap3A], %broadcast_in_dim3A_1 {strides = array<i32>} : memref<10240xf32, #tpu.memory_space<vmem>>, vector<16xf32>,
      %scan3A_46 = arith.constant 0 : i32
      scf.yield %scan3A_46 : i32
    }
    %scan3A_9 = arith.constant 640 : i32
    %mul3A_10 = arith.constant 640 : i32
    %mul3A_11 = arith.muli %arg1, %mul3A_10 : i32
    "tpu.region"() ({
      %run_scoped3A_41 = tpu.sem_alloc : memref<!tpu.dma_semaphore, #tpu.memory_space<semaphore_mem>>
      %dma_start3A = arith.constant 0 : i32
      %dma_start3A_42 = tpu.memref_slice %arg5[%dma_start3A] : memref<10240xf32, #tpu.memory_space<vmem>> -> memref<640xf32, #tpu.memory_space<vmem>>
      %dma_start3A_43 = tpu.memref_slice %arg7[%mul3A_11] : memref<10240xf32, #tpu.memory_space<vmem_shared>> -> memref<640xf32, #tpu.memory_space<vmem_shared>>
      %dma_start3A_44 = tpu.memref_slice %arg7[%mul3A_11] : memref<10240xf32, #tpu.memory_space<vmem_shared>> -> memref<640xf32, #tpu.memory_space<vmem_shared>>
      %dma_start3A_45 = arith.constant 0 : i32
      %dma_start3A_46 = tpu.memref_slice %arg5[%dma_start3A_45] : memref<10240xf32, #tpu.memory_space<vmem>> -> memref<640xf32, #tpu.memory_space<vmem>>
      tpu.enqueue_dma source(%dma_start3A_46 : memref<640xf32, #tpu.memory_space<vmem>>) target(%dma_start3A_44 : memref<640xf32, #tpu.memory_space<vmem_shared>>) target_semaphore(%run_scoped3A_41 : memref<!tpu.dma_semaphore, #tpu.memory_space<semaphore_mem>>)
      %dma_wait3A = arith.constant 0 : i32
      %dma_wait3A_47 = tpu.memref_slice %arg5[%dma_wait3A] : memref<10240xf32, #tpu.memory_space<vmem>> -> memref<640xf32, #tpu.memory_space<vmem>>
      %dma_wait3A_48 = tpu.memref_slice %arg7[%mul3A_11] : memref<10240xf32, #tpu.memory_space<vmem_shared>> -> memref<640xf32, #tpu.memory_space<vmem_shared>>
      %dma_wait3A_49 = tpu.memref_slice %arg7[%mul3A_11] : memref<10240xf32, #tpu.memory_space<vmem_shared>> -> memref<640xf32, #tpu.memory_space<vmem_shared>>
      %dma_wait3A_50 = arith.constant 0 : i32
      %dma_wait3A_51 = tpu.memref_slice %arg5[%dma_wait3A_50] : memref<10240xf32, #tpu.memory_space<vmem>> -> memref<640xf32, #tpu.memory_space<vmem>>
      tpu.wait_dma2 semaphore(%run_scoped3A_41 : memref<!tpu.dma_semaphore, #tpu.memory_space<semaphore_mem>>) src(%dma_wait3A_51 : memref<640xf32, #tpu.memory_space<vmem>>) dst(%dma_wait3A_49 : memref<640xf32, #tpu.memory_space<vmem_shared>>)
      tpu.yield
    }) : () -> ()
    %scan3A_12 = arith.constant 0 : i32
    %scan3A_13 = arith.constant 0 : i32
    %scan3A_14 = arith.constant 80 : i32
    %scan3A_15 = arith.addi %scan3A_13, %scan3A_14 : i32
    %scan3A_16 = arith.constant 1 : i32
    %scan3A_17 = scf.for %scan3A_41 = %scan3A_13 to %scan3A_15 step %scan3A_16 iter_args(%scan3A_42 = %scan3A_12) -> (i32)  : i32 {
      %scan3A_43 = arith.constant 0 : i32
      %scan3A_44 = arith.constant 0 : i32
      %scan3A_45 = arith.constant 8 : i32
      %scan3A_46 = arith.addi %scan3A_44, %scan3A_45 : i32
      %scan3A_47 = arith.constant 1 : i32
      %scan3A_48 = scf.for %scan3A_50 = %scan3A_44 to %scan3A_46 step %scan3A_47 iter_args(%scan3A_51 = %scan3A_43) -> (i32)  : i32 {
        %mul3A_52 = arith.constant 128 : i32
        %mul3A_53 = arith.muli %scan3A_41, %mul3A_52 : i32
        %mul3A_54 = arith.constant 16 : i32
        %mul3A_55 = arith.muli %scan3A_50, %mul3A_54 : i32
        %add3A_56 = arith.addi %mul3A_53, %mul3A_55 : i32
        %add3A_57 = vector.broadcast %add3A_56 : i32 to vector<16xi32>
        %add3A_58 = arith.addi %add3A_57, %iota3A : vector<16xi32>
        %mul3A_59 = arith.constant 16 : i32
        %mul3A_60 = arith.muli %scan3A_50, %mul3A_59 : i32
        %swap3A = arith.index_cast %scan3A_41 : i32 to index
        %swap3A_61 = arith.index_cast %mul3A_60 : i32 to index
        %swap3A_62 = tpu.vector_load %arg6[%swap3A, %swap3A_61] {strides = array<i32>} : memref<80x128xi32, #tpu.memory_space<vmem>>, vector<16xi32>,
        tpu.vector_store %arg6[%swap3A, %swap3A_61], %add3A_58 {strides = array<i32>} : memref<80x128xi32, #tpu.memory_space<vmem>>, vector<16xi32>,
        %scan3A_63 = arith.constant 0 : i32
        scf.yield %scan3A_63 : i32
      }
      %scan3A_49 = arith.constant 8 : i32
      scf.yield %scan3A_48 : i32
    }
    %scan3A_18 = arith.constant 80 : i32
    %barrier3A = arith.constant 0 : index
    tpu.barrier barrier_id(%barrier3A)
    %mul3A_19 = arith.constant 10000 : i32
    %mul3A_20 = arith.muli %add3A, %mul3A_19 : i32
    %run_scoped3A = arith.constant 1 : i32
    "tpu.region"() ({
      %run_scoped3A_41 = tpu.sem_alloc : memref<!tpu.dma_semaphore, #tpu.memory_space<semaphore_mem>>
      %dma_start3A = tpu.memref_slice %arg2[%run_scoped3A, %mul3A_20] : memref<2x320000xi32, #tpu.memory_space<hbm>> -> memref<1x10000xi32, #tpu.memory_space<hbm>>
      %dma_start3A_42 = tpu.memref_squeeze %dma_start3A : memref<1x10000xi32, #tpu.memory_space<hbm>> -> memref<10000xi32, #tpu.memory_space<hbm>>
      %dma_start3A_43 = tpu.memref_slice %arg2[%run_scoped3A, %mul3A_20] : memref<2x320000xi32, #tpu.memory_space<hbm>> -> memref<1x10000xi32, #tpu.memory_space<hbm>>
      %dma_start3A_44 = tpu.memref_squeeze %dma_start3A_43 : memref<1x10000xi32, #tpu.memory_space<hbm>> -> memref<10000xi32, #tpu.memory_space<hbm>>
      tpu.enqueue_dma source(%dma_start3A_44 : memref<10000xi32, #tpu.memory_space<hbm>>) target(%arg4 : memref<10000xi32, #tpu.memory_space<vmem>>) target_semaphore(%run_scoped3A_41 : memref<!tpu.dma_semaphore, #tpu.memory_space<semaphore_mem>>)
      %dma_wait3A = tpu.memref_slice %arg2[%run_scoped3A, %mul3A_20] : memref<2x320000xi32, #tpu.memory_space<hbm>> -> memref<1x10000xi32, #tpu.memory_space<hbm>>
      %dma_wait3A_45 = tpu.memref_squeeze %dma_wait3A : memref<1x10000xi32, #tpu.memory_space<hbm>> -> memref<10000xi32, #tpu.memory_space<hbm>>
      %dma_wait3A_46 = tpu.memref_slice %arg2[%run_scoped3A, %mul3A_20] : memref<2x320000xi32, #tpu.memory_space<hbm>> -> memref<1x10000xi32, #tpu.memory_space<hbm>>
      %dma_wait3A_47 = tpu.memref_squeeze %dma_wait3A_46 : memref<1x10000xi32, #tpu.memory_space<hbm>> -> memref<10000xi32, #tpu.memory_space<hbm>>
      tpu.wait_dma2 semaphore(%run_scoped3A_41 : memref<!tpu.dma_semaphore, #tpu.memory_space<semaphore_mem>>) src(%dma_wait3A_47 : memref<10000xi32, #tpu.memory_space<hbm>>) dst(%arg4 : memref<10000xi32, #tpu.memory_space<vmem>>)
      tpu.yield
    }) : () -> ()
    %scan3A_21 = arith.constant 0 : i32
    %scan3A_22 = arith.constant 0 : i32
    %scan3A_23 = arith.constant 78 : i32
    %scan3A_24 = arith.addi %scan3A_22, %scan3A_23 : i32
    %scan3A_25 = arith.constant 1 : i32
    %scan3A_26 = scf.for %scan3A_41 = %scan3A_22 to %scan3A_24 step %scan3A_25 iter_args(%scan3A_42 = %scan3A_21) -> (i32)  : i32 {
      %mul3A_43 = arith.constant 8 : i32
      %mul3A_44 = arith.muli %scan3A_41, %mul3A_43 : i32
      %add3A_45 = arith.constant 0 : i32
      %add3A_46 = arith.addi %mul3A_44, %add3A_45 : i32
      %mul3A_47 = arith.constant 16 : i32
      %mul3A_48 = arith.muli %add3A_46, %mul3A_47 : i32
      %get3A_49 = arith.index_cast %mul3A_48 : i32 to index
      %get3A_50 = tpu.vector_load %arg4[%get3A_49] {strides = array<i32>} : memref<10000xi32, #tpu.memory_space<vmem>>, vector<16xi32>,
      tpu.vector_store_idx %arg5[%get3A_50], %broadcast_in_dim3A_3 {add = true} : memref<10240xf32, #tpu.memory_space<vmem>>[vector<16xi32>], vector<16xf32>,
      %mul3A_51 = arith.constant 8 : i32
      %mul3A_52 = arith.muli %scan3A_41, %mul3A_51 : i32
      %add3A_53 = arith.constant 1 : i32
      %add3A_54 = arith.addi %mul3A_52, %add3A_53 : i32
      %mul3A_55 = arith.constant 16 : i32
      %mul3A_56 = arith.muli %add3A_54, %mul3A_55 : i32
      %get3A_57 = arith.index_cast %mul3A_56 : i32 to index
      %get3A_58 = tpu.vector_load %arg4[%get3A_57] {strides = array<i32>} : memref<10000xi32, #tpu.memory_space<vmem>>, vector<16xi32>,
      tpu.vector_store_idx %arg5[%get3A_58], %broadcast_in_dim3A_3 {add = true} : memref<10240xf32, #tpu.memory_space<vmem>>[vector<16xi32>], vector<16xf32>,
      %mul3A_59 = arith.constant 8 : i32
      %mul3A_60 = arith.muli %scan3A_41, %mul3A_59 : i32
      %add3A_61 = arith.constant 2 : i32
      %add3A_62 = arith.addi %mul3A_60, %add3A_61 : i32
      %mul3A_63 = arith.constant 16 : i32
      %mul3A_64 = arith.muli %add3A_62, %mul3A_63 : i32
      %get3A_65 = arith.index_cast %mul3A_64 : i32 to index
      %get3A_66 = tpu.vector_load %arg4[%get3A_65] {strides = array<i32>} : memref<10000xi32, #tpu.memory_space<vmem>>, vector<16xi32>,
      tpu.vector_store_idx %arg5[%get3A_66], %broadcast_in_dim3A_3 {add = true} : memref<10240xf32, #tpu.memory_space<vmem>>[vector<16xi32>], vector<16xf32>,
      %mul3A_67 = arith.constant 8 : i32
      %mul3A_68 = arith.muli %scan3A_41, %mul3A_67 : i32
      %add3A_69 = arith.constant 3 : i32
      %add3A_70 = arith.addi %mul3A_68, %add3A_69 : i32
      %mul3A_71 = arith.constant 16 : i32
      %mul3A_72 = arith.muli %add3A_70, %mul3A_71 : i32
      %get3A_73 = arith.index_cast %mul3A_72 : i32 to index
      %get3A_74 = tpu.vector_load %arg4[%get3A_73] {strides = array<i32>} : memref<10000xi32, #tpu.memory_space<vmem>>, vector<16xi32>,
      tpu.vector_store_idx %arg5[%get3A_74], %broadcast_in_dim3A_3 {add = true} : memref<10240xf32, #tpu.memory_space<vmem>>[vector<16xi32>], vector<16xf32>,
      %mul3A_75 = arith.constant 8 : i32
      %mul3A_76 = arith.muli %scan3A_41, %mul3A_75 : i32
      %add3A_77 = arith.constant 4 : i32
      %add3A_78 = arith.addi %mul3A_76, %add3A_77 : i32
      %mul3A_79 = arith.constant 16 : i32
      %mul3A_80 = arith.muli %add3A_78, %mul3A_79 : i32
      %get3A_81 = arith.index_cast %mul3A_80 : i32 to index
      %get3A_82 = tpu.vector_load %arg4[%get3A_81] {strides = array<i32>} : memref<10000xi32, #tpu.memory_space<vmem>>, vector<16xi32>,
      tpu.vector_store_idx %arg5[%get3A_82], %broadcast_in_dim3A_3 {add = true} : memref<10240xf32, #tpu.memory_space<vmem>>[vector<16xi32>], vector<16xf32>,
      %mul3A_83 = arith.constant 8 : i32
      %mul3A_84 = arith.muli %scan3A_41, %mul3A_83 : i32
      %add3A_85 = arith.constant 5 : i32
      %add3A_86 = arith.addi %mul3A_84, %add3A_85 : i32
      %mul3A_87 = arith.constant 16 : i32
      %mul3A_88 = arith.muli %add3A_86, %mul3A_87 : i32
      %get3A_89 = arith.index_cast %mul3A_88 : i32 to index
      %get3A_90 = tpu.vector_load %arg4[%get3A_89] {strides = array<i32>} : memref<10000xi32, #tpu.memory_space<vmem>>, vector<16xi32>,
      tpu.vector_store_idx %arg5[%get3A_90], %broadcast_in_dim3A_3 {add = true} : memref<10240xf32, #tpu.memory_space<vmem>>[vector<16xi32>], vector<16xf32>,
      %mul3A_91 = arith.constant 8 : i32
      %mul3A_92 = arith.muli %scan3A_41, %mul3A_91 : i32
      %add3A_93 = arith.constant 6 : i32
      %add3A_94 = arith.addi %mul3A_92, %add3A_93 : i32
      %mul3A_95 = arith.constant 16 : i32
      %mul3A_96 = arith.muli %add3A_94, %mul3A_95 : i32
      %get3A_97 = arith.index_cast %mul3A_96 : i32 to index
      %get3A_98 = tpu.vector_load %arg4[%get3A_97] {strides = array<i32>} : memref<10000xi32, #tpu.memory_space<vmem>>, vector<16xi32>,
      tpu.vector_store_idx %arg5[%get3A_98], %broadcast_in_dim3A_3 {add = true} : memref<10240xf32, #tpu.memory_space<vmem>>[vector<16xi32>], vector<16xf32>,
      %mul3A_99 = arith.constant 8 : i32
      %mul3A_100 = arith.muli %scan3A_41, %mul3A_99 : i32
      %add3A_101 = arith.constant 7 : i32
      %add3A_102 = arith.addi %mul3A_100, %add3A_101 : i32
      %mul3A_103 = arith.constant 16 : i32
      %mul3A_104 = arith.muli %add3A_102, %mul3A_103 : i32
      %get3A_105 = arith.index_cast %mul3A_104 : i32 to index
      %get3A_106 = tpu.vector_load %arg4[%get3A_105] {strides = array<i32>} : memref<10000xi32, #tpu.memory_space<vmem>>, vector<16xi32>,
      tpu.vector_store_idx %arg5[%get3A_106], %broadcast_in_dim3A_3 {add = true} : memref<10240xf32, #tpu.memory_space<vmem>>[vector<16xi32>], vector<16xf32>,
      %scan3A_107 = arith.constant 0 : i32
      scf.yield %scan3A_107 : i32
    }
    %scan3A_27 = arith.constant 78 : i32
    %get3A = arith.constant 9984 : index
    %get3A_28 = tpu.vector_load %arg4[%get3A] {strides = array<i32>} : memref<10000xi32, #tpu.memory_space<vmem>>, vector<16xi32>,
    tpu.vector_store_idx %arg5[%get3A_28], %broadcast_in_dim3A_3 {add = true} : memref<10240xf32, #tpu.memory_space<vmem>>[vector<16xi32>], vector<16xf32>,
    %scan3A_29 = arith.constant 0 : i32
    %scan3A_30 = arith.constant 0 : i32
    %scan3A_31 = arith.constant 80 : i32
    %scan3A_32 = arith.addi %scan3A_30, %scan3A_31 : i32
    %scan3A_33 = arith.constant 1 : i32
    %scan3A_34 = scf.for %scan3A_41 = %scan3A_30 to %scan3A_32 step %scan3A_33 iter_args(%scan3A_42 = %scan3A_29) -> (i32)  : i32 {
      %mul3A_43 = arith.constant 128 : i32
      %mul3A_44 = arith.muli %scan3A_41, %mul3A_43 : i32
      "tpu.region"() ({
        %run_scoped3A_46 = tpu.sem_alloc : memref<!tpu.dma_semaphore, #tpu.memory_space<semaphore_mem>>
        %dma_start3A = tpu.memref_slice %arg5[%mul3A_44] : memref<10240xf32, #tpu.memory_space<vmem>> -> memref<128xf32, #tpu.memory_space<vmem>>
        %dma_start3A_47 = arith.constant 0 : i32
        %dma_start3A_48 = tpu.memref_slice %arg6[%scan3A_41, %dma_start3A_47] : memref<80x128xi32, #tpu.memory_space<vmem>> -> memref<1x128xi32, #tpu.memory_space<vmem>>
        %dma_start3A_49 = tpu.memref_squeeze %dma_start3A_48 : memref<1x128xi32, #tpu.memory_space<vmem>> -> memref<128xi32, #tpu.memory_space<vmem>>
        %dma_start3A_50 = arith.constant 0 : i32
        %dma_start3A_51 = tpu.memref_slice %arg7[%dma_start3A_50] : memref<10240xf32, #tpu.memory_space<vmem_shared>> -> memref<10240xf32, #tpu.memory_space<vmem_shared>>
        tpu.enqueue_indirect_dma source(%dma_start3A : memref<128xf32, #tpu.memory_space<vmem>>) target(%dma_start3A_51 : memref<10240xf32, #tpu.memory_space<vmem_shared>>) offsets(%dma_start3A_49 : memref<128xi32, #tpu.memory_space<vmem>>) semaphore(%run_scoped3A_46 : memref<!tpu.dma_semaphore, #tpu.memory_space<semaphore_mem>>) {add = true}
        %dma_wait3A = tpu.memref_slice %arg5[%mul3A_44] : memref<10240xf32, #tpu.memory_space<vmem>> -> memref<128xf32, #tpu.memory_space<vmem>>
        %dma_wait3A_52 = arith.constant 0 : i32
        %dma_wait3A_53 = tpu.memref_slice %arg6[%scan3A_41, %dma_wait3A_52] : memref<80x128xi32, #tpu.memory_space<vmem>> -> memref<1x128xi32, #tpu.memory_space<vmem>>
        %dma_wait3A_54 = tpu.memref_squeeze %dma_wait3A_53 : memref<1x128xi32, #tpu.memory_space<vmem>> -> memref<128xi32, #tpu.memory_space<vmem>>
        %dma_wait3A_55 = arith.constant 0 : i32
        %dma_wait3A_56 = tpu.memref_slice %arg7[%dma_wait3A_55] : memref<10240xf32, #tpu.memory_space<vmem_shared>> -> memref<10240xf32, #tpu.memory_space<vmem_shared>>
        tpu.wait_indirect_dma semaphore(%run_scoped3A_46 : memref<!tpu.dma_semaphore, #tpu.memory_space<semaphore_mem>>) src(%dma_wait3A : memref<128xf32, #tpu.memory_space<vmem>>) dst(%dma_wait3A_56 : memref<10240xf32, #tpu.memory_space<vmem_shared>>)
        tpu.yield
      }) : () -> ()
      %scan3A_45 = arith.constant 0 : i32
      scf.yield %scan3A_45 : i32
    }
    %scan3A_35 = arith.constant 80 : i32
    %barrier3A_36 = arith.constant 0 : index
    tpu.barrier barrier_id(%barrier3A_36)
    %mul3A_37 = arith.constant 640 : i32
    %mul3A_38 = arith.muli %arg1, %mul3A_37 : i32
    %mul3A_39 = arith.constant 640 : i32
    %mul3A_40 = arith.muli %arg1, %mul3A_39 : i32
    "tpu.region"() ({
      %run_scoped3A_41 = tpu.sem_alloc : memref<!tpu.dma_semaphore, #tpu.memory_space<semaphore_mem>>
      %dma_start3A = tpu.memref_slice %arg3[%arg0, %mul3A_40] : memref<2x10240xf32, #tpu.memory_space<hbm>> -> memref<1x640xf32, #tpu.memory_space<hbm>>
      %dma_start3A_42 = tpu.memref_squeeze %dma_start3A : memref<1x640xf32, #tpu.memory_space<hbm>> -> memref<640xf32, #tpu.memory_space<hbm>>
      %dma_start3A_43 = tpu.memref_slice %arg7[%mul3A_38] : memref<10240xf32, #tpu.memory_space<vmem_shared>> -> memref<640xf32, #tpu.memory_space<vmem_shared>>
      tpu.enqueue_dma source(%dma_start3A_43 : memref<640xf32, #tpu.memory_space<vmem_shared>>) target(%dma_start3A_42 : memref<640xf32, #tpu.memory_space<hbm>>) target_semaphore(%run_scoped3A_41 : memref<!tpu.dma_semaphore, #tpu.memory_space<semaphore_mem>>)
      %dma_wait3A = tpu.memref_slice %arg3[%arg0, %mul3A_40] : memref<2x10240xf32, #tpu.memory_space<hbm>> -> memref<1x640xf32, #tpu.memory_space<hbm>>
      %dma_wait3A_44 = tpu.memref_squeeze %dma_wait3A : memref<1x640xf32, #tpu.memory_space<hbm>> -> memref<640xf32, #tpu.memory_space<hbm>>
      %dma_wait3A_45 = tpu.memref_slice %arg7[%mul3A_38] : memref<10240xf32, #tpu.memory_space<vmem_shared>> -> memref<640xf32, #tpu.memory_space<vmem_shared>>
      tpu.wait_dma2 semaphore(%run_scoped3A_41 : memref<!tpu.dma_semaphore, #tpu.memory_space<semaphore_mem>>) src(%dma_wait3A_45 : memref<640xf32, #tpu.memory_space<vmem_shared>>) dst(%dma_wait3A_44 : memref<640xf32, #tpu.memory_space<hbm>>)
      tpu.yield
    }) : () -> ()
    return
  }
}

#map = affine_map<(d0, d1) -> (0, 0)>
#map1 = affine_map<(d0, d1) -> (0, 0, 0)>
module attributes {stable_mosaic.version = 14 : i64} {
  func.func @_sc_scatter_body(%arg0: i32, %arg1: i32, %arg2: memref<10000x64xf32, #tpu.memory_space<hbm>>, %arg3: memref<2x320000xi32, #tpu.memory_space<hbm>>, %arg4: memref<2x10240x64xf32, #tpu.memory_space<hbm>>, %arg5: memref<10000xi32, #tpu.memory_space<vmem>>, %arg6: memref<10000xi32, #tpu.memory_space<vmem>>, %arg7: memref<2x128x64xf32, #tpu.memory_space<vmem>>, %arg8: memref<64x64xf32, #tpu.memory_space<vmem>>, %arg9: memref<10240x64xf32, #tpu.memory_space<vmem_shared>>, %arg10: memref<!tpu.dma_semaphore, #tpu.memory_space<semaphore_mem>>, %arg11: memref<!tpu.dma_semaphore, #tpu.memory_space<semaphore_mem>>) attributes {dimension_semantics = [#tpu.dimension_semantics<core_parallel>, #tpu.dimension_semantics<subcore_parallel>], iteration_bounds = array<i64: 2, 16>, scalar_prefetch = 0 : i64, scratch_operands = 7 : i64, tpu.core_type = #tpu.core_type<sc_vector_subcore>, window_params = [{transform_indices = #map}, {transform_indices = #map}, {transform_indices = #map1}]} {
    %mul3A = arith.constant 16 : i32
    %mul3A_0 = arith.muli %arg0, %mul3A : i32
    %add3A = arith.addi %mul3A_0, %arg1 : i32
    %broadcast_in_dim3A = arith.constant 0.000000e+00 : f32
    %broadcast_in_dim3A_1 = vector.broadcast %broadcast_in_dim3A : f32 to vector<16xf32>
    %scan3A = arith.constant 0 : i32
    %scan3A_2 = arith.constant 0 : i32
    %scan3A_3 = arith.constant 64 : i32
    %scan3A_4 = arith.addi %scan3A_2, %scan3A_3 : i32
    %scan3A_5 = arith.constant 1 : i32
    %scan3A_6 = scf.for %scan3A_137 = %scan3A_2 to %scan3A_4 step %scan3A_5 iter_args(%scan3A_138 = %scan3A) -> (i32)  : i32 {
      %scan3A_139 = arith.constant 0 : i32
      %scan3A_140 = arith.constant 0 : i32
      %scan3A_141 = arith.constant 4 : i32
      %scan3A_142 = arith.addi %scan3A_140, %scan3A_141 : i32
      %scan3A_143 = arith.constant 1 : i32
      %scan3A_144 = scf.for %scan3A_146 = %scan3A_140 to %scan3A_142 step %scan3A_143 iter_args(%scan3A_147 = %scan3A_139) -> (i32)  : i32 {
        %mul3A_148 = arith.constant 16 : i32
        %mul3A_149 = arith.muli %scan3A_146, %mul3A_148 : i32
        %swap3A = arith.index_cast %scan3A_137 : i32 to index
        %swap3A_150 = arith.index_cast %mul3A_149 : i32 to index
        %swap3A_151 = tpu.vector_load %arg8[%swap3A, %swap3A_150] {strides = array<i32>} : memref<64x64xf32, #tpu.memory_space<vmem>>, vector<16xf32>,
        tpu.vector_store %arg8[%swap3A, %swap3A_150], %broadcast_in_dim3A_1 {strides = array<i32>} : memref<64x64xf32, #tpu.memory_space<vmem>>, vector<16xf32>,
        %scan3A_152 = arith.constant 0 : i32
        scf.yield %scan3A_152 : i32
      }
      %scan3A_145 = arith.constant 4 : i32
      scf.yield %scan3A_144 : i32
    }
    %scan3A_7 = arith.constant 64 : i32
    %scan3A_8 = arith.constant 0 : i32
    %scan3A_9 = arith.constant 0 : i32
    %scan3A_10 = arith.constant 10 : i32
    %scan3A_11 = arith.addi %scan3A_9, %scan3A_10 : i32
    %scan3A_12 = arith.constant 1 : i32
    %scan3A_13 = scf.for %scan3A_137 = %scan3A_9 to %scan3A_11 step %scan3A_12 iter_args(%scan3A_138 = %scan3A_8) -> (i32)  : i32 {
      %mul3A_139 = arith.constant 640 : i32
      %mul3A_140 = arith.muli %arg1, %mul3A_139 : i32
      %mul3A_141 = arith.constant 64 : i32
      %mul3A_142 = arith.muli %scan3A_137, %mul3A_141 : i32
      %add3A_143 = arith.addi %mul3A_140, %mul3A_142 : i32
      "tpu.region"() ({
        %run_scoped3A_145 = tpu.sem_alloc : memref<!tpu.dma_semaphore, #tpu.memory_space<semaphore_mem>>
        %dma_start3A_146 = arith.constant 0 : i32
        %dma_start3A_147 = tpu.memref_slice %arg9[%add3A_143, %dma_start3A_146] : memref<10240x64xf32, #tpu.memory_space<vmem_shared>> -> memref<64x64xf32, #tpu.memory_space<vmem_shared>>
        %dma_start3A_148 = arith.constant 0 : i32
        %dma_start3A_149 = tpu.memref_slice %arg9[%add3A_143, %dma_start3A_148] : memref<10240x64xf32, #tpu.memory_space<vmem_shared>> -> memref<64x64xf32, #tpu.memory_space<vmem_shared>>
        tpu.enqueue_dma source(%arg8 : memref<64x64xf32, #tpu.memory_space<vmem>>) target(%dma_start3A_149 : memref<64x64xf32, #tpu.memory_space<vmem_shared>>) target_semaphore(%run_scoped3A_145 : memref<!tpu.dma_semaphore, #tpu.memory_space<semaphore_mem>>)
        %dma_wait3A_150 = arith.constant 0 : i32
        %dma_wait3A_151 = tpu.memref_slice %arg9[%add3A_143, %dma_wait3A_150] : memref<10240x64xf32, #tpu.memory_space<vmem_shared>> -> memref<64x64xf32, #tpu.memory_space<vmem_shared>>
        %dma_wait3A_152 = arith.constant 0 : i32
        %dma_wait3A_153 = tpu.memref_slice %arg9[%add3A_143, %dma_wait3A_152] : memref<10240x64xf32, #tpu.memory_space<vmem_shared>> -> memref<64x64xf32, #tpu.memory_space<vmem_shared>>
        tpu.wait_dma2 semaphore(%run_scoped3A_145 : memref<!tpu.dma_semaphore, #tpu.memory_space<semaphore_mem>>) src(%arg8 : memref<64x64xf32, #tpu.memory_space<vmem>>) dst(%dma_wait3A_153 : memref<64x64xf32, #tpu.memory_space<vmem_shared>>)
        tpu.yield
      }) : () -> ()
      %scan3A_144 = arith.constant 0 : i32
      scf.yield %scan3A_144 : i32
    }
    %scan3A_14 = arith.constant 10 : i32
    %barrier3A = arith.constant 0 : index
    tpu.barrier barrier_id(%barrier3A)
    %mul3A_15 = arith.constant 10000 : i32
    %mul3A_16 = arith.muli %add3A, %mul3A_15 : i32
    %run_scoped3A = arith.constant 0 : i32
    "tpu.region"() ({
      %run_scoped3A_137 = tpu.sem_alloc : memref<!tpu.dma_semaphore, #tpu.memory_space<semaphore_mem>>
      %dma_start3A_138 = tpu.memref_slice %arg3[%run_scoped3A, %mul3A_16] : memref<2x320000xi32, #tpu.memory_space<hbm>> -> memref<1x10000xi32, #tpu.memory_space<hbm>>
      %dma_start3A_139 = tpu.memref_squeeze %dma_start3A_138 : memref<1x10000xi32, #tpu.memory_space<hbm>> -> memref<10000xi32, #tpu.memory_space<hbm>>
      %dma_start3A_140 = tpu.memref_slice %arg3[%run_scoped3A, %mul3A_16] : memref<2x320000xi32, #tpu.memory_space<hbm>> -> memref<1x10000xi32, #tpu.memory_space<hbm>>
      %dma_start3A_141 = tpu.memref_squeeze %dma_start3A_140 : memref<1x10000xi32, #tpu.memory_space<hbm>> -> memref<10000xi32, #tpu.memory_space<hbm>>
      tpu.enqueue_dma source(%dma_start3A_141 : memref<10000xi32, #tpu.memory_space<hbm>>) target(%arg5 : memref<10000xi32, #tpu.memory_space<vmem>>) target_semaphore(%run_scoped3A_137 : memref<!tpu.dma_semaphore, #tpu.memory_space<semaphore_mem>>)
      %dma_wait3A_142 = tpu.memref_slice %arg3[%run_scoped3A, %mul3A_16] : memref<2x320000xi32, #tpu.memory_space<hbm>> -> memref<1x10000xi32, #tpu.memory_space<hbm>>
      %dma_wait3A_143 = tpu.memref_squeeze %dma_wait3A_142 : memref<1x10000xi32, #tpu.memory_space<hbm>> -> memref<10000xi32, #tpu.memory_space<hbm>>
      %dma_wait3A_144 = tpu.memref_slice %arg3[%run_scoped3A, %mul3A_16] : memref<2x320000xi32, #tpu.memory_space<hbm>> -> memref<1x10000xi32, #tpu.memory_space<hbm>>
      %dma_wait3A_145 = tpu.memref_squeeze %dma_wait3A_144 : memref<1x10000xi32, #tpu.memory_space<hbm>> -> memref<10000xi32, #tpu.memory_space<hbm>>
      tpu.wait_dma2 semaphore(%run_scoped3A_137 : memref<!tpu.dma_semaphore, #tpu.memory_space<semaphore_mem>>) src(%dma_wait3A_145 : memref<10000xi32, #tpu.memory_space<hbm>>) dst(%arg5 : memref<10000xi32, #tpu.memory_space<vmem>>)
      tpu.yield
    }) : () -> ()
    %mul3A_17 = arith.constant 10000 : i32
    %mul3A_18 = arith.muli %add3A, %mul3A_17 : i32
    %run_scoped3A_19 = arith.constant 1 : i32
    "tpu.region"() ({
      %run_scoped3A_137 = tpu.sem_alloc : memref<!tpu.dma_semaphore, #tpu.memory_space<semaphore_mem>>
      %dma_start3A_138 = tpu.memref_slice %arg3[%run_scoped3A_19, %mul3A_18] : memref<2x320000xi32, #tpu.memory_space<hbm>> -> memref<1x10000xi32, #tpu.memory_space<hbm>>
      %dma_start3A_139 = tpu.memref_squeeze %dma_start3A_138 : memref<1x10000xi32, #tpu.memory_space<hbm>> -> memref<10000xi32, #tpu.memory_space<hbm>>
      %dma_start3A_140 = tpu.memref_slice %arg3[%run_scoped3A_19, %mul3A_18] : memref<2x320000xi32, #tpu.memory_space<hbm>> -> memref<1x10000xi32, #tpu.memory_space<hbm>>
      %dma_start3A_141 = tpu.memref_squeeze %dma_start3A_140 : memref<1x10000xi32, #tpu.memory_space<hbm>> -> memref<10000xi32, #tpu.memory_space<hbm>>
      tpu.enqueue_dma source(%dma_start3A_141 : memref<10000xi32, #tpu.memory_space<hbm>>) target(%arg6 : memref<10000xi32, #tpu.memory_space<vmem>>) target_semaphore(%run_scoped3A_137 : memref<!tpu.dma_semaphore, #tpu.memory_space<semaphore_mem>>)
      %dma_wait3A_142 = tpu.memref_slice %arg3[%run_scoped3A_19, %mul3A_18] : memref<2x320000xi32, #tpu.memory_space<hbm>> -> memref<1x10000xi32, #tpu.memory_space<hbm>>
      %dma_wait3A_143 = tpu.memref_squeeze %dma_wait3A_142 : memref<1x10000xi32, #tpu.memory_space<hbm>> -> memref<10000xi32, #tpu.memory_space<hbm>>
      %dma_wait3A_144 = tpu.memref_slice %arg3[%run_scoped3A_19, %mul3A_18] : memref<2x320000xi32, #tpu.memory_space<hbm>> -> memref<1x10000xi32, #tpu.memory_space<hbm>>
      %dma_wait3A_145 = tpu.memref_squeeze %dma_wait3A_144 : memref<1x10000xi32, #tpu.memory_space<hbm>> -> memref<10000xi32, #tpu.memory_space<hbm>>
      tpu.wait_dma2 semaphore(%run_scoped3A_137 : memref<!tpu.dma_semaphore, #tpu.memory_space<semaphore_mem>>) src(%dma_wait3A_145 : memref<10000xi32, #tpu.memory_space<hbm>>) dst(%arg6 : memref<10000xi32, #tpu.memory_space<vmem>>)
      tpu.yield
    }) : () -> ()
    %dma_start3A = arith.constant 0 : i32
    %dma_start3A_20 = arith.constant 0 : i32
    %dma_start3A_21 = arith.constant 0 : i32
    %dma_start3A_22 = tpu.memref_slice %arg7[%dma_start3A, %dma_start3A_20, %dma_start3A_21] : memref<2x128x64xf32, #tpu.memory_space<vmem>> -> memref<1x128x64xf32, #tpu.memory_space<vmem>>
    %dma_start3A_23 = tpu.memref_squeeze %dma_start3A_22 : memref<1x128x64xf32, #tpu.memory_space<vmem>> -> memref<128x64xf32, #tpu.memory_space<vmem>>
    %dma_start3A_24 = arith.constant 0 : i32
    %dma_start3A_25 = tpu.memref_slice %arg5[%dma_start3A_24] : memref<10000xi32, #tpu.memory_space<vmem>> -> memref<128xi32, #tpu.memory_space<vmem>>
    %dma_start3A_26 = arith.constant 0 : i32
    %dma_start3A_27 = arith.constant 0 : i32
    %dma_start3A_28 = tpu.memref_slice %arg2[%dma_start3A_26, %dma_start3A_27] : memref<10000x64xf32, #tpu.memory_space<hbm>> -> memref<10000x64xf32, #tpu.memory_space<hbm>>
    tpu.enqueue_indirect_dma source(%dma_start3A_28 : memref<10000x64xf32, #tpu.memory_space<hbm>>) target(%dma_start3A_23 : memref<128x64xf32, #tpu.memory_space<vmem>>) offsets(%dma_start3A_25 : memref<128xi32, #tpu.memory_space<vmem>>) semaphore(%arg10 : memref<!tpu.dma_semaphore, #tpu.memory_space<semaphore_mem>>)
    %dma_wait3A = arith.constant 0 : i32
    %dma_wait3A_29 = arith.constant 0 : i32
    %dma_wait3A_30 = arith.constant 0 : i32
    %dma_wait3A_31 = tpu.memref_slice %arg7[%dma_wait3A, %dma_wait3A_29, %dma_wait3A_30] : memref<2x128x64xf32, #tpu.memory_space<vmem>> -> memref<1x128x64xf32, #tpu.memory_space<vmem>>
    %dma_wait3A_32 = tpu.memref_squeeze %dma_wait3A_31 : memref<1x128x64xf32, #tpu.memory_space<vmem>> -> memref<128x64xf32, #tpu.memory_space<vmem>>
    %dma_wait3A_33 = arith.constant 0 : i32
    %dma_wait3A_34 = tpu.memref_slice %arg5[%dma_wait3A_33] : memref<10000xi32, #tpu.memory_space<vmem>> -> memref<128xi32, #tpu.memory_space<vmem>>
    %dma_wait3A_35 = arith.constant 0 : i32
    %dma_wait3A_36 = arith.constant 0 : i32
    %dma_wait3A_37 = tpu.memref_slice %arg2[%dma_wait3A_35, %dma_wait3A_36] : memref<10000x64xf32, #tpu.memory_space<hbm>> -> memref<10000x64xf32, #tpu.memory_space<hbm>>
    tpu.wait_indirect_dma semaphore(%arg10 : memref<!tpu.dma_semaphore, #tpu.memory_space<semaphore_mem>>) src(%dma_wait3A_37 : memref<10000x64xf32, #tpu.memory_space<hbm>>) dst(%dma_wait3A_32 : memref<128x64xf32, #tpu.memory_space<vmem>>)
    %scan3A_38 = arith.constant 0 : i32
    %scan3A_39 = arith.constant 0 : i32
    %scan3A_40 = arith.constant 38 : i32
    %scan3A_41 = arith.addi %scan3A_39, %scan3A_40 : i32
    %scan3A_42 = arith.constant 1 : i32
    %scan3A_43 = scf.for %scan3A_137 = %scan3A_39 to %scan3A_41 step %scan3A_42 iter_args(%scan3A_138 = %scan3A_38) -> (i32)  : i32 {
      %mul3A_139 = arith.constant 2 : i32
      %mul3A_140 = arith.muli %mul3A_139, %scan3A_137 : i32
      %mul3A_141 = arith.constant 128 : i32
      %mul3A_142 = arith.muli %mul3A_140, %mul3A_141 : i32
      %dma_start3A_143 = arith.constant 0 : i32
      %dma_start3A_144 = arith.constant 0 : i32
      %dma_start3A_145 = arith.constant 0 : i32
      %dma_start3A_146 = tpu.memref_slice %arg7[%dma_start3A_143, %dma_start3A_144, %dma_start3A_145] : memref<2x128x64xf32, #tpu.memory_space<vmem>> -> memref<1x128x64xf32, #tpu.memory_space<vmem>>
      %dma_start3A_147 = tpu.memref_squeeze %dma_start3A_146 : memref<1x128x64xf32, #tpu.memory_space<vmem>> -> memref<128x64xf32, #tpu.memory_space<vmem>>
      %dma_start3A_148 = tpu.memref_slice %arg6[%mul3A_142] : memref<10000xi32, #tpu.memory_space<vmem>> -> memref<128xi32, #tpu.memory_space<vmem>>
      %dma_start3A_149 = arith.constant 0 : i32
      %dma_start3A_150 = arith.constant 0 : i32
      %dma_start3A_151 = tpu.memref_slice %arg9[%dma_start3A_149, %dma_start3A_150] : memref<10240x64xf32, #tpu.memory_space<vmem_shared>> -> memref<10240x64xf32, #tpu.memory_space<vmem_shared>>
      tpu.enqueue_indirect_dma source(%dma_start3A_147 : memref<128x64xf32, #tpu.memory_space<vmem>>) target(%dma_start3A_151 : memref<10240x64xf32, #tpu.memory_space<vmem_shared>>) offsets(%dma_start3A_148 : memref<128xi32, #tpu.memory_space<vmem>>) semaphore(%arg11 : memref<!tpu.dma_semaphore, #tpu.memory_space<semaphore_mem>>) {add = true}
      %add3A_152 = arith.constant 1 : i32
      %add3A_153 = arith.addi %mul3A_140, %add3A_152 : i32
      %mul3A_154 = arith.constant 128 : i32
      %mul3A_155 = arith.muli %add3A_153, %mul3A_154 : i32
      %dma_start3A_156 = arith.constant 1 : i32
      %dma_start3A_157 = arith.constant 0 : i32
      %dma_start3A_158 = arith.constant 0 : i32
      %dma_start3A_159 = tpu.memref_slice %arg7[%dma_start3A_156, %dma_start3A_157, %dma_start3A_158] : memref<2x128x64xf32, #tpu.memory_space<vmem>> -> memref<1x128x64xf32, #tpu.memory_space<vmem>>
      %dma_start3A_160 = tpu.memref_squeeze %dma_start3A_159 : memref<1x128x64xf32, #tpu.memory_space<vmem>> -> memref<128x64xf32, #tpu.memory_space<vmem>>
      %dma_start3A_161 = tpu.memref_slice %arg5[%mul3A_155] : memref<10000xi32, #tpu.memory_space<vmem>> -> memref<128xi32, #tpu.memory_space<vmem>>
      %dma_start3A_162 = arith.constant 0 : i32
      %dma_start3A_163 = arith.constant 0 : i32
      %dma_start3A_164 = tpu.memref_slice %arg2[%dma_start3A_162, %dma_start3A_163] : memref<10000x64xf32, #tpu.memory_space<hbm>> -> memref<10000x64xf32, #tpu.memory_space<hbm>>
      tpu.enqueue_indirect_dma source(%dma_start3A_164 : memref<10000x64xf32, #tpu.memory_space<hbm>>) target(%dma_start3A_160 : memref<128x64xf32, #tpu.memory_space<vmem>>) offsets(%dma_start3A_161 : memref<128xi32, #tpu.memory_space<vmem>>) semaphore(%arg10 : memref<!tpu.dma_semaphore, #tpu.memory_space<semaphore_mem>>)
      %dma_wait3A_165 = arith.constant 1 : i32
      %dma_wait3A_166 = arith.constant 0 : i32
      %dma_wait3A_167 = arith.constant 0 : i32
      %dma_wait3A_168 = tpu.memref_slice %arg7[%dma_wait3A_165, %dma_wait3A_166, %dma_wait3A_167] : memref<2x128x64xf32, #tpu.memory_space<vmem>> -> memref<1x128x64xf32, #tpu.memory_space<vmem>>
      %dma_wait3A_169 = tpu.memref_squeeze %dma_wait3A_168 : memref<1x128x64xf32, #tpu.memory_space<vmem>> -> memref<128x64xf32, #tpu.memory_space<vmem>>
      %dma_wait3A_170 = tpu.memref_slice %arg5[%mul3A_155] : memref<10000xi32, #tpu.memory_space<vmem>> -> memref<128xi32, #tpu.memory_space<vmem>>
      %dma_wait3A_171 = arith.constant 0 : i32
      %dma_wait3A_172 = arith.constant 0 : i32
      %dma_wait3A_173 = tpu.memref_slice %arg2[%dma_wait3A_171, %dma_wait3A_172] : memref<10000x64xf32, #tpu.memory_space<hbm>> -> memref<10000x64xf32, #tpu.memory_space<hbm>>
      tpu.wait_indirect_dma semaphore(%arg10 : memref<!tpu.dma_semaphore, #tpu.memory_space<semaphore_mem>>) src(%dma_wait3A_173 : memref<10000x64xf32, #tpu.memory_space<hbm>>) dst(%dma_wait3A_169 : memref<128x64xf32, #tpu.memory_space<vmem>>)
      %mul3A_174 = arith.constant 128 : i32
      %mul3A_175 = arith.muli %mul3A_140, %mul3A_174 : i32
      %dma_wait3A_176 = arith.constant 0 : i32
      %dma_wait3A_177 = arith.constant 0 : i32
      %dma_wait3A_178 = arith.constant 0 : i32
      %dma_wait3A_179 = tpu.memref_slice %arg7[%dma_wait3A_176, %dma_wait3A_177, %dma_wait3A_178] : memref<2x128x64xf32, #tpu.memory_space<vmem>> -> memref<1x128x64xf32, #tpu.memory_space<vmem>>
      %dma_wait3A_180 = tpu.memref_squeeze %dma_wait3A_179 : memref<1x128x64xf32, #tpu.memory_space<vmem>> -> memref<128x64xf32, #tpu.memory_space<vmem>>
      %dma_wait3A_181 = tpu.memref_slice %arg6[%mul3A_175] : memref<10000xi32, #tpu.memory_space<vmem>> -> memref<128xi32, #tpu.memory_space<vmem>>
      %dma_wait3A_182 = arith.constant 0 : i32
      %dma_wait3A_183 = arith.constant 0 : i32
      %dma_wait3A_184 = tpu.memref_slice %arg9[%dma_wait3A_182, %dma_wait3A_183] : memref<10240x64xf32, #tpu.memory_space<vmem_shared>> -> memref<10240x64xf32, #tpu.memory_space<vmem_shared>>
      tpu.wait_indirect_dma semaphore(%arg11 : memref<!tpu.dma_semaphore, #tpu.memory_space<semaphore_mem>>) src(%dma_wait3A_180 : memref<128x64xf32, #tpu.memory_space<vmem>>) dst(%dma_wait3A_184 : memref<10240x64xf32, #tpu.memory_space<vmem_shared>>)
      %add3A_185 = arith.constant 1 : i32
      %add3A_186 = arith.addi %mul3A_140, %add3A_185 : i32
      %mul3A_187 = arith.constant 128 : i32
      %mul3A_188 = arith.muli %add3A_186, %mul3A_187 : i32
      %dma_start3A_189 = arith.constant 1 : i32
      %dma_start3A_190 = arith.constant 0 : i32
      %dma_start3A_191 = arith.constant 0 : i32
      %dma_start3A_192 = tpu.memref_slice %arg7[%dma_start3A_189, %dma_start3A_190, %dma_start3A_191] : memref<2x128x64xf32, #tpu.memory_space<vmem>> -> memref<1x128x64xf32, #tpu.memory_space<vmem>>
      %dma_start3A_193 = tpu.memref_squeeze %dma_start3A_192 : memref<1x128x64xf32, #tpu.memory_space<vmem>> -> memref<128x64xf32, #tpu.memory_space<vmem>>
      %dma_start3A_194 = tpu.memref_slice %arg6[%mul3A_188] : memref<10000xi32, #tpu.memory_space<vmem>> -> memref<128xi32, #tpu.memory_space<vmem>>
      %dma_start3A_195 = arith.constant 0 : i32
      %dma_start3A_196 = arith.constant 0 : i32
      %dma_start3A_197 = tpu.memref_slice %arg9[%dma_start3A_195, %dma_start3A_196] : memref<10240x64xf32, #tpu.memory_space<vmem_shared>> -> memref<10240x64xf32, #tpu.memory_space<vmem_shared>>
      tpu.enqueue_indirect_dma source(%dma_start3A_193 : memref<128x64xf32, #tpu.memory_space<vmem>>) target(%dma_start3A_197 : memref<10240x64xf32, #tpu.memory_space<vmem_shared>>) offsets(%dma_start3A_194 : memref<128xi32, #tpu.memory_space<vmem>>) semaphore(%arg11 : memref<!tpu.dma_semaphore, #tpu.memory_space<semaphore_mem>>) {add = true}
      %add3A_198 = arith.constant 2 : i32
      %add3A_199 = arith.addi %mul3A_140, %add3A_198 : i32
      %mul3A_200 = arith.constant 128 : i32
      %mul3A_201 = arith.muli %add3A_199, %mul3A_200 : i32
      %dma_start3A_202 = arith.constant 0 : i32
      %dma_start3A_203 = arith.constant 0 : i32
      %dma_start3A_204 = arith.constant 0 : i32
      %dma_start3A_205 = tpu.memref_slice %arg7[%dma_start3A_202, %dma_start3A_203, %dma_start3A_204] : memref<2x128x64xf32, #tpu.memory_space<vmem>> -> memref<1x128x64xf32, #tpu.memory_space<vmem>>
      %dma_start3A_206 = tpu.memref_squeeze %dma_start3A_205 : memref<1x128x64xf32, #tpu.memory_space<vmem>> -> memref<128x64xf32, #tpu.memory_space<vmem>>
      %dma_start3A_207 = tpu.memref_slice %arg5[%mul3A_201] : memref<10000xi32, #tpu.memory_space<vmem>> -> memref<128xi32, #tpu.memory_space<vmem>>
      %dma_start3A_208 = arith.constant 0 : i32
      %dma_start3A_209 = arith.constant 0 : i32
      %dma_start3A_210 = tpu.memref_slice %arg2[%dma_start3A_208, %dma_start3A_209] : memref<10000x64xf32, #tpu.memory_space<hbm>> -> memref<10000x64xf32, #tpu.memory_space<hbm>>
      tpu.enqueue_indirect_dma source(%dma_start3A_210 : memref<10000x64xf32, #tpu.memory_space<hbm>>) target(%dma_start3A_206 : memref<128x64xf32, #tpu.memory_space<vmem>>) offsets(%dma_start3A_207 : memref<128xi32, #tpu.memory_space<vmem>>) semaphore(%arg10 : memref<!tpu.dma_semaphore, #tpu.memory_space<semaphore_mem>>)
      %dma_wait3A_211 = arith.constant 0 : i32
      %dma_wait3A_212 = arith.constant 0 : i32
      %dma_wait3A_213 = arith.constant 0 : i32
      %dma_wait3A_214 = tpu.memref_slice %arg7[%dma_wait3A_211, %dma_wait3A_212, %dma_wait3A_213] : memref<2x128x64xf32, #tpu.memory_space<vmem>> -> memref<1x128x64xf32, #tpu.memory_space<vmem>>
      %dma_wait3A_215 = tpu.memref_squeeze %dma_wait3A_214 : memref<1x128x64xf32, #tpu.memory_space<vmem>> -> memref<128x64xf32, #tpu.memory_space<vmem>>
      %dma_wait3A_216 = tpu.memref_slice %arg5[%mul3A_201] : memref<10000xi32, #tpu.memory_space<vmem>> -> memref<128xi32, #tpu.memory_space<vmem>>
      %dma_wait3A_217 = arith.constant 0 : i32
      %dma_wait3A_218 = arith.constant 0 : i32
      %dma_wait3A_219 = tpu.memref_slice %arg2[%dma_wait3A_217, %dma_wait3A_218] : memref<10000x64xf32, #tpu.memory_space<hbm>> -> memref<10000x64xf32, #tpu.memory_space<hbm>>
      tpu.wait_indirect_dma semaphore(%arg10 : memref<!tpu.dma_semaphore, #tpu.memory_space<semaphore_mem>>) src(%dma_wait3A_219 : memref<10000x64xf32, #tpu.memory_space<hbm>>) dst(%dma_wait3A_215 : memref<128x64xf32, #tpu.memory_space<vmem>>)
      %add3A_220 = arith.constant 1 : i32
      %add3A_221 = arith.addi %mul3A_140, %add3A_220 : i32
      %mul3A_222 = arith.constant 128 : i32
      %mul3A_223 = arith.muli %add3A_221, %mul3A_222 : i32
      %dma_wait3A_224 = arith.constant 1 : i32
      %dma_wait3A_225 = arith.constant 0 : i32
      %dma_wait3A_226 = arith.constant 0 : i32
      %dma_wait3A_227 = tpu.memref_slice %arg7[%dma_wait3A_224, %dma_wait3A_225, %dma_wait3A_226] : memref<2x128x64xf32, #tpu.memory_space<vmem>> -> memref<1x128x64xf32, #tpu.memory_space<vmem>>
      %dma_wait3A_228 = tpu.memref_squeeze %dma_wait3A_227 : memref<1x128x64xf32, #tpu.memory_space<vmem>> -> memref<128x64xf32, #tpu.memory_space<vmem>>
      %dma_wait3A_229 = tpu.memref_slice %arg6[%mul3A_223] : memref<10000xi32, #tpu.memory_space<vmem>> -> memref<128xi32, #tpu.memory_space<vmem>>
      %dma_wait3A_230 = arith.constant 0 : i32
      %dma_wait3A_231 = arith.constant 0 : i32
      %dma_wait3A_232 = tpu.memref_slice %arg9[%dma_wait3A_230, %dma_wait3A_231] : memref<10240x64xf32, #tpu.memory_space<vmem_shared>> -> memref<10240x64xf32, #tpu.memory_space<vmem_shared>>
      tpu.wait_indirect_dma semaphore(%arg11 : memref<!tpu.dma_semaphore, #tpu.memory_space<semaphore_mem>>) src(%dma_wait3A_228 : memref<128x64xf32, #tpu.memory_space<vmem>>) dst(%dma_wait3A_232 : memref<10240x64xf32, #tpu.memory_space<vmem_shared>>)
      %scan3A_233 = arith.constant 0 : i32
      scf.yield %scan3A_233 : i32
    }
    %scan3A_44 = arith.constant 38 : i32
    %dma_start3A_45 = arith.constant 0 : i32
    %dma_start3A_46 = arith.constant 0 : i32
    %dma_start3A_47 = arith.constant 0 : i32
    %dma_start3A_48 = tpu.memref_slice %arg7[%dma_start3A_45, %dma_start3A_46, %dma_start3A_47] : memref<2x128x64xf32, #tpu.memory_space<vmem>> -> memref<1x128x64xf32, #tpu.memory_space<vmem>>
    %dma_start3A_49 = tpu.memref_squeeze %dma_start3A_48 : memref<1x128x64xf32, #tpu.memory_space<vmem>> -> memref<128x64xf32, #tpu.memory_space<vmem>>
    %dma_start3A_50 = arith.constant 9728 : i32
    %dma_start3A_51 = tpu.memref_slice %arg6[%dma_start3A_50] : memref<10000xi32, #tpu.memory_space<vmem>> -> memref<128xi32, #tpu.memory_space<vmem>>
    %dma_start3A_52 = arith.constant 0 : i32
    %dma_start3A_53 = arith.constant 0 : i32
    %dma_start3A_54 = tpu.memref_slice %arg9[%dma_start3A_52, %dma_start3A_53] : memref<10240x64xf32, #tpu.memory_space<vmem_shared>> -> memref<10240x64xf32, #tpu.memory_space<vmem_shared>>
    tpu.enqueue_indirect_dma source(%dma_start3A_49 : memref<128x64xf32, #tpu.memory_space<vmem>>) target(%dma_start3A_54 : memref<10240x64xf32, #tpu.memory_space<vmem_shared>>) offsets(%dma_start3A_51 : memref<128xi32, #tpu.memory_space<vmem>>) semaphore(%arg11 : memref<!tpu.dma_semaphore, #tpu.memory_space<semaphore_mem>>) {add = true}
    %dma_start3A_55 = arith.constant 1 : i32
    %dma_start3A_56 = arith.constant 0 : i32
    %dma_start3A_57 = arith.constant 0 : i32
    %dma_start3A_58 = tpu.memref_slice %arg7[%dma_start3A_55, %dma_start3A_56, %dma_start3A_57] : memref<2x128x64xf32, #tpu.memory_space<vmem>> -> memref<1x128x64xf32, #tpu.memory_space<vmem>>
    %dma_start3A_59 = tpu.memref_squeeze %dma_start3A_58 : memref<1x128x64xf32, #tpu.memory_space<vmem>> -> memref<128x64xf32, #tpu.memory_space<vmem>>
    %dma_start3A_60 = arith.constant 9856 : i32
    %dma_start3A_61 = tpu.memref_slice %arg5[%dma_start3A_60] : memref<10000xi32, #tpu.memory_space<vmem>> -> memref<128xi32, #tpu.memory_space<vmem>>
    %dma_start3A_62 = arith.constant 0 : i32
    %dma_start3A_63 = arith.constant 0 : i32
    %dma_start3A_64 = tpu.memref_slice %arg2[%dma_start3A_62, %dma_start3A_63] : memref<10000x64xf32, #tpu.memory_space<hbm>> -> memref<10000x64xf32, #tpu.memory_space<hbm>>
    tpu.enqueue_indirect_dma source(%dma_start3A_64 : memref<10000x64xf32, #tpu.memory_space<hbm>>) target(%dma_start3A_59 : memref<128x64xf32, #tpu.memory_space<vmem>>) offsets(%dma_start3A_61 : memref<128xi32, #tpu.memory_space<vmem>>) semaphore(%arg10 : memref<!tpu.dma_semaphore, #tpu.memory_space<semaphore_mem>>)
    %dma_wait3A_65 = arith.constant 1 : i32
    %dma_wait3A_66 = arith.constant 0 : i32
    %dma_wait3A_67 = arith.constant 0 : i32
    %dma_wait3A_68 = tpu.memref_slice %arg7[%dma_wait3A_65, %dma_wait3A_66, %dma_wait3A_67] : memref<2x128x64xf32, #tpu.memory_space<vmem>> -> memref<1x128x64xf32, #tpu.memory_space<vmem>>
    %dma_wait3A_69 = tpu.memref_squeeze %dma_wait3A_68 : memref<1x128x64xf32, #tpu.memory_space<vmem>> -> memref<128x64xf32, #tpu.memory_space<vmem>>
    %dma_wait3A_70 = arith.constant 9856 : i32
    %dma_wait3A_71 = tpu.memref_slice %arg5[%dma_wait3A_70] : memref<10000xi32, #tpu.memory_space<vmem>> -> memref<128xi32, #tpu.memory_space<vmem>>
    %dma_wait3A_72 = arith.constant 0 : i32
    %dma_wait3A_73 = arith.constant 0 : i32
    %dma_wait3A_74 = tpu.memref_slice %arg2[%dma_wait3A_72, %dma_wait3A_73] : memref<10000x64xf32, #tpu.memory_space<hbm>> -> memref<10000x64xf32, #tpu.memory_space<hbm>>
    tpu.wait_indirect_dma semaphore(%arg10 : memref<!tpu.dma_semaphore, #tpu.memory_space<semaphore_mem>>) src(%dma_wait3A_74 : memref<10000x64xf32, #tpu.memory_space<hbm>>) dst(%dma_wait3A_69 : memref<128x64xf32, #tpu.memory_space<vmem>>)
    %dma_wait3A_75 = arith.constant 0 : i32
    %dma_wait3A_76 = arith.constant 0 : i32
    %dma_wait3A_77 = arith.constant 0 : i32
    %dma_wait3A_78 = tpu.memref_slice %arg7[%dma_wait3A_75, %dma_wait3A_76, %dma_wait3A_77] : memref<2x128x64xf32, #tpu.memory_space<vmem>> -> memref<1x128x64xf32, #tpu.memory_space<vmem>>
    %dma_wait3A_79 = tpu.memref_squeeze %dma_wait3A_78 : memref<1x128x64xf32, #tpu.memory_space<vmem>> -> memref<128x64xf32, #tpu.memory_space<vmem>>
    %dma_wait3A_80 = arith.constant 9728 : i32
    %dma_wait3A_81 = tpu.memref_slice %arg6[%dma_wait3A_80] : memref<10000xi32, #tpu.memory_space<vmem>> -> memref<128xi32, #tpu.memory_space<vmem>>
    %dma_wait3A_82 = arith.constant 0 : i32
    %dma_wait3A_83 = arith.constant 0 : i32
    %dma_wait3A_84 = tpu.memref_slice %arg9[%dma_wait3A_82, %dma_wait3A_83] : memref<10240x64xf32, #tpu.memory_space<vmem_shared>> -> memref<10240x64xf32, #tpu.memory_space<vmem_shared>>
    tpu.wait_indirect_dma semaphore(%arg11 : memref<!tpu.dma_semaphore, #tpu.memory_space<semaphore_mem>>) src(%dma_wait3A_79 : memref<128x64xf32, #tpu.memory_space<vmem>>) dst(%dma_wait3A_84 : memref<10240x64xf32, #tpu.memory_space<vmem_shared>>)
    %dma_start3A_85 = arith.constant 1 : i32
    %dma_start3A_86 = arith.constant 0 : i32
    %dma_start3A_87 = arith.constant 0 : i32
    %dma_start3A_88 = tpu.memref_slice %arg7[%dma_start3A_85, %dma_start3A_86, %dma_start3A_87] : memref<2x128x64xf32, #tpu.memory_space<vmem>> -> memref<1x128x64xf32, #tpu.memory_space<vmem>>
    %dma_start3A_89 = tpu.memref_squeeze %dma_start3A_88 : memref<1x128x64xf32, #tpu.memory_space<vmem>> -> memref<128x64xf32, #tpu.memory_space<vmem>>
    %dma_start3A_90 = arith.constant 9856 : i32
    %dma_start3A_91 = tpu.memref_slice %arg6[%dma_start3A_90] : memref<10000xi32, #tpu.memory_space<vmem>> -> memref<128xi32, #tpu.memory_space<vmem>>
    %dma_start3A_92 = arith.constant 0 : i32
    %dma_start3A_93 = arith.constant 0 : i32
    %dma_start3A_94 = tpu.memref_slice %arg9[%dma_start3A_92, %dma_start3A_93] : memref<10240x64xf32, #tpu.memory_space<vmem_shared>> -> memref<10240x64xf32, #tpu.memory_space<vmem_shared>>
    tpu.enqueue_indirect_dma source(%dma_start3A_89 : memref<128x64xf32, #tpu.memory_space<vmem>>) target(%dma_start3A_94 : memref<10240x64xf32, #tpu.memory_space<vmem_shared>>) offsets(%dma_start3A_91 : memref<128xi32, #tpu.memory_space<vmem>>) semaphore(%arg11 : memref<!tpu.dma_semaphore, #tpu.memory_space<semaphore_mem>>) {add = true}
    %dma_start3A_95 = arith.constant 0 : i32
    %dma_start3A_96 = arith.constant 0 : i32
    %dma_start3A_97 = arith.constant 0 : i32
    %dma_start3A_98 = tpu.memref_slice %arg7[%dma_start3A_95, %dma_start3A_96, %dma_start3A_97] : memref<2x128x64xf32, #tpu.memory_space<vmem>> -> memref<1x128x64xf32, #tpu.memory_space<vmem>>
    %dma_start3A_99 = tpu.memref_squeeze %dma_start3A_98 : memref<1x128x64xf32, #tpu.memory_space<vmem>> -> memref<128x64xf32, #tpu.memory_space<vmem>>
    %dma_start3A_100 = arith.constant 0 : i32
    %dma_start3A_101 = arith.constant 0 : i32
    %dma_start3A_102 = tpu.memref_slice %dma_start3A_99[%dma_start3A_100, %dma_start3A_101] : memref<128x64xf32, #tpu.memory_space<vmem>> -> memref<16x64xf32, #tpu.memory_space<vmem>>
    %dma_start3A_103 = arith.constant 9984 : i32
    %dma_start3A_104 = tpu.memref_slice %arg5[%dma_start3A_103] : memref<10000xi32, #tpu.memory_space<vmem>> -> memref<16xi32, #tpu.memory_space<vmem>>
    %dma_start3A_105 = arith.constant 0 : i32
    %dma_start3A_106 = arith.constant 0 : i32
    %dma_start3A_107 = tpu.memref_slice %arg2[%dma_start3A_105, %dma_start3A_106] : memref<10000x64xf32, #tpu.memory_space<hbm>> -> memref<10000x64xf32, #tpu.memory_space<hbm>>
    tpu.enqueue_indirect_dma source(%dma_start3A_107 : memref<10000x64xf32, #tpu.memory_space<hbm>>) target(%dma_start3A_102 : memref<16x64xf32, #tpu.memory_space<vmem>>) offsets(%dma_start3A_104 : memref<16xi32, #tpu.memory_space<vmem>>) semaphore(%arg10 : memref<!tpu.dma_semaphore, #tpu.memory_space<semaphore_mem>>)
    %dma_wait3A_108 = arith.constant 0 : i32
    %dma_wait3A_109 = arith.constant 0 : i32
    %dma_wait3A_110 = arith.constant 0 : i32
    %dma_wait3A_111 = tpu.memref_slice %arg7[%dma_wait3A_108, %dma_wait3A_109, %dma_wait3A_110] : memref<2x128x64xf32, #tpu.memory_space<vmem>> -> memref<1x128x64xf32, #tpu.memory_space<vmem>>
    %dma_wait3A_112 = tpu.memref_squeeze %dma_wait3A_111 : memref<1x128x64xf32, #tpu.memory_space<vmem>> -> memref<128x64xf32, #tpu.memory_space<vmem>>
    %dma_wait3A_113 = arith.constant 0 : i32
    %dma_wait3A_114 = arith.constant 0 : i32
    %dma_wait3A_115 = tpu.memref_slice %dma_wait3A_112[%dma_wait3A_113, %dma_wait3A_114] : memref<128x64xf32, #tpu.memory_space<vmem>> -> memref<16x64xf32, #tpu.memory_space<vmem>>
    %dma_wait3A_116 = arith.constant 9984 : i32
    %dma_wait3A_117 = tpu.memref_slice %arg5[%dma_wait3A_116] : memref<10000xi32, #tpu.memory_space<vmem>> -> memref<16xi32, #tpu.memory_space<vmem>>
    %dma_wait3A_118 = arith.constant 0 : i32
    %dma_wait3A_119 = arith.constant 0 : i32
    %dma_wait3A_120 = tpu.memref_slice %arg2[%dma_wait3A_118, %dma_wait3A_119] : memref<10000x64xf32, #tpu.memory_space<hbm>> -> memref<10000x64xf32, #tpu.memory_space<hbm>>
    tpu.wait_indirect_dma semaphore(%arg10 : memref<!tpu.dma_semaphore, #tpu.memory_space<semaphore_mem>>) src(%dma_wait3A_120 : memref<10000x64xf32, #tpu.memory_space<hbm>>) dst(%dma_wait3A_115 : memref<16x64xf32, #tpu.memory_space<vmem>>)
    %dma_wait3A_121 = arith.constant 1 : i32
    %dma_wait3A_122 = arith.constant 0 : i32
    %dma_wait3A_123 = arith.constant 0 : i32
    %dma_wait3A_124 = tpu.memref_slice %arg7[%dma_wait3A_121, %dma_wait3A_122, %dma_wait3A_123] : memref<2x128x64xf32, #tpu.memory_space<vmem>> -> memref<1x128x64xf32, #tpu.memory_space<vmem>>
    %dma_wait3A_125 = tpu.memref_squeeze %dma_wait3A_124 : memref<1x128x64xf32, #tpu.memory_space<vmem>> -> memref<128x64xf32, #tpu.memory_space<vmem>>
    %dma_wait3A_126 = arith.constant 9856 : i32
    %dma_wait3A_127 = tpu.memref_slice %arg6[%dma_wait3A_126] : memref<10000xi32, #tpu.memory_space<vmem>> -> memref<128xi32, #tpu.memory_space<vmem>>
    %dma_wait3A_128 = arith.constant 0 : i32
    %dma_wait3A_129 = arith.constant 0 : i32
    %dma_wait3A_130 = tpu.memref_slice %arg9[%dma_wait3A_128, %dma_wait3A_129] : memref<10240x64xf32, #tpu.memory_space<vmem_shared>> -> memref<10240x64xf32, #tpu.memory_space<vmem_shared>>
    tpu.wait_indirect_dma semaphore(%arg11 : memref<!tpu.dma_semaphore, #tpu.memory_space<semaphore_mem>>) src(%dma_wait3A_125 : memref<128x64xf32, #tpu.memory_space<vmem>>) dst(%dma_wait3A_130 : memref<10240x64xf32, #tpu.memory_space<vmem_shared>>)
    %run_scoped3A_131 = arith.constant 0 : i32
    "tpu.region"() ({
      %run_scoped3A_137 = tpu.sem_alloc : memref<!tpu.dma_semaphore, #tpu.memory_space<semaphore_mem>>
      %dma_start3A_138 = arith.constant 0 : i32
      %dma_start3A_139 = arith.constant 0 : i32
      %dma_start3A_140 = tpu.memref_slice %arg7[%run_scoped3A_131, %dma_start3A_138, %dma_start3A_139] : memref<2x128x64xf32, #tpu.memory_space<vmem>> -> memref<1x128x64xf32, #tpu.memory_space<vmem>>
      %dma_start3A_141 = tpu.memref_squeeze %dma_start3A_140 : memref<1x128x64xf32, #tpu.memory_space<vmem>> -> memref<128x64xf32, #tpu.memory_space<vmem>>
      %dma_start3A_142 = arith.constant 0 : i32
      %dma_start3A_143 = arith.constant 0 : i32
      %dma_start3A_144 = tpu.memref_slice %dma_start3A_141[%dma_start3A_142, %dma_start3A_143] : memref<128x64xf32, #tpu.memory_space<vmem>> -> memref<16x64xf32, #tpu.memory_space<vmem>>
      %dma_start3A_145 = arith.constant 9984 : i32
      %dma_start3A_146 = tpu.memref_slice %arg6[%dma_start3A_145] : memref<10000xi32, #tpu.memory_space<vmem>> -> memref<16xi32, #tpu.memory_space<vmem>>
      %dma_start3A_147 = arith.constant 0 : i32
      %dma_start3A_148 = arith.constant 0 : i32
      %dma_start3A_149 = tpu.memref_slice %arg9[%dma_start3A_147, %dma_start3A_148] : memref<10240x64xf32, #tpu.memory_space<vmem_shared>> -> memref<10240x64xf32, #tpu.memory_space<vmem_shared>>
      tpu.enqueue_indirect_dma source(%dma_start3A_144 : memref<16x64xf32, #tpu.memory_space<vmem>>) target(%dma_start3A_149 : memref<10240x64xf32, #tpu.memory_space<vmem_shared>>) offsets(%dma_start3A_146 : memref<16xi32, #tpu.memory_space<vmem>>) semaphore(%run_scoped3A_137 : memref<!tpu.dma_semaphore, #tpu.memory_space<semaphore_mem>>) {add = true}
      %dma_wait3A_150 = arith.constant 0 : i32
      %dma_wait3A_151 = arith.constant 0 : i32
      %dma_wait3A_152 = tpu.memref_slice %arg7[%run_scoped3A_131, %dma_wait3A_150, %dma_wait3A_151] : memref<2x128x64xf32, #tpu.memory_space<vmem>> -> memref<1x128x64xf32, #tpu.memory_space<vmem>>
      %dma_wait3A_153 = tpu.memref_squeeze %dma_wait3A_152 : memref<1x128x64xf32, #tpu.memory_space<vmem>> -> memref<128x64xf32, #tpu.memory_space<vmem>>
      %dma_wait3A_154 = arith.constant 0 : i32
      %dma_wait3A_155 = arith.constant 0 : i32
      %dma_wait3A_156 = tpu.memref_slice %dma_wait3A_153[%dma_wait3A_154, %dma_wait3A_155] : memref<128x64xf32, #tpu.memory_space<vmem>> -> memref<16x64xf32, #tpu.memory_space<vmem>>
      %dma_wait3A_157 = arith.constant 9984 : i32
      %dma_wait3A_158 = tpu.memref_slice %arg6[%dma_wait3A_157] : memref<10000xi32, #tpu.memory_space<vmem>> -> memref<16xi32, #tpu.memory_space<vmem>>
      %dma_wait3A_159 = arith.constant 0 : i32
      %dma_wait3A_160 = arith.constant 0 : i32
      %dma_wait3A_161 = tpu.memref_slice %arg9[%dma_wait3A_159, %dma_wait3A_160] : memref<10240x64xf32, #tpu.memory_space<vmem_shared>> -> memref<10240x64xf32, #tpu.memory_space<vmem_shared>>
      tpu.wait_indirect_dma semaphore(%run_scoped3A_137 : memref<!tpu.dma_semaphore, #tpu.memory_space<semaphore_mem>>) src(%dma_wait3A_156 : memref<16x64xf32, #tpu.memory_space<vmem>>) dst(%dma_wait3A_161 : memref<10240x64xf32, #tpu.memory_space<vmem_shared>>)
      tpu.yield
    }) : () -> ()
    %barrier3A_132 = arith.constant 0 : index
    tpu.barrier barrier_id(%barrier3A_132)
    %mul3A_133 = arith.constant 640 : i32
    %mul3A_134 = arith.muli %arg1, %mul3A_133 : i32
    %mul3A_135 = arith.constant 640 : i32
    %mul3A_136 = arith.muli %arg1, %mul3A_135 : i32
    "tpu.region"() ({
      %run_scoped3A_137 = tpu.sem_alloc : memref<!tpu.dma_semaphore, #tpu.memory_space<semaphore_mem>>
      %dma_start3A_138 = arith.constant 0 : i32
      %dma_start3A_139 = tpu.memref_slice %arg4[%arg0, %mul3A_136, %dma_start3A_138] : memref<2x10240x64xf32, #tpu.memory_space<hbm>> -> memref<1x640x64xf32, #tpu.memory_space<hbm>>
      %dma_start3A_140 = tpu.memref_squeeze %dma_start3A_139 : memref<1x640x64xf32, #tpu.memory_space<hbm>> -> memref<640x64xf32, #tpu.memory_space<hbm>>
      %dma_start3A_141 = arith.constant 0 : i32
      %dma_start3A_142 = tpu.memref_slice %arg9[%mul3A_134, %dma_start3A_141] : memref<10240x64xf32, #tpu.memory_space<vmem_shared>> -> memref<640x64xf32, #tpu.memory_space<vmem_shared>>
      tpu.enqueue_dma source(%dma_start3A_142 : memref<640x64xf32, #tpu.memory_space<vmem_shared>>) target(%dma_start3A_140 : memref<640x64xf32, #tpu.memory_space<hbm>>) target_semaphore(%run_scoped3A_137 : memref<!tpu.dma_semaphore, #tpu.memory_space<semaphore_mem>>)
      %dma_wait3A_143 = arith.constant 0 : i32
      %dma_wait3A_144 = tpu.memref_slice %arg4[%arg0, %mul3A_136, %dma_wait3A_143] : memref<2x10240x64xf32, #tpu.memory_space<hbm>> -> memref<1x640x64xf32, #tpu.memory_space<hbm>>
      %dma_wait3A_145 = tpu.memref_squeeze %dma_wait3A_144 : memref<1x640x64xf32, #tpu.memory_space<hbm>> -> memref<640x64xf32, #tpu.memory_space<hbm>>
      %dma_wait3A_146 = arith.constant 0 : i32
      %dma_wait3A_147 = tpu.memref_slice %arg9[%mul3A_134, %dma_wait3A_146] : memref<10240x64xf32, #tpu.memory_space<vmem_shared>> -> memref<640x64xf32, #tpu.memory_space<vmem_shared>>
      tpu.wait_dma2 semaphore(%run_scoped3A_137 : memref<!tpu.dma_semaphore, #tpu.memory_space<semaphore_mem>>) src(%dma_wait3A_147 : memref<640x64xf32, #tpu.memory_space<vmem_shared>>) dst(%dma_wait3A_145 : memref<640x64xf32, #tpu.memory_space<hbm>>)
      tpu.yield
    }) : () -> ()
    return
  }
}

#map = affine_map<(d0, d1) -> (0, 0)>
#map1 = affine_map<(d0, d1) -> (0, 0, 0)>
module attributes {stable_mosaic.version = 14 : i64} {
  func.func @_sc_scatter_body(%arg0: i32, %arg1: i32, %arg2: memref<10000x64xf32, #tpu.memory_space<hbm>>, %arg3: memref<2x320000xi32, #tpu.memory_space<hbm>>, %arg4: memref<2x10240x64xf32, #tpu.memory_space<hbm>>, %arg5: memref<10000xi32, #tpu.memory_space<vmem>>, %arg6: memref<10000xi32, #tpu.memory_space<vmem>>, %arg7: memref<2x128x64xf32, #tpu.memory_space<vmem>>, %arg8: memref<64x64xf32, #tpu.memory_space<vmem>>, %arg9: memref<10240x64xf32, #tpu.memory_space<vmem_shared>>, %arg10: memref<!tpu.dma_semaphore, #tpu.memory_space<semaphore_mem>>, %arg11: memref<!tpu.dma_semaphore, #tpu.memory_space<semaphore_mem>>) attributes {dimension_semantics = [#tpu.dimension_semantics<core_parallel>, #tpu.dimension_semantics<subcore_parallel>], iteration_bounds = array<i64: 2, 16>, scalar_prefetch = 0 : i64, scratch_operands = 7 : i64, tpu.core_type = #tpu.core_type<sc_vector_subcore>, window_params = [{transform_indices = #map}, {transform_indices = #map}, {transform_indices = #map1}]} {
    %mul3A = arith.constant 16 : i32
    %mul3A_0 = arith.muli %arg0, %mul3A : i32
    %add3A = arith.addi %mul3A_0, %arg1 : i32
    %broadcast_in_dim3A = arith.constant 0.000000e+00 : f32
    %broadcast_in_dim3A_1 = vector.broadcast %broadcast_in_dim3A : f32 to vector<16xf32>
    %scan3A = arith.constant 0 : i32
    %scan3A_2 = arith.constant 0 : i32
    %scan3A_3 = arith.constant 64 : i32
    %scan3A_4 = arith.addi %scan3A_2, %scan3A_3 : i32
    %scan3A_5 = arith.constant 1 : i32
    %scan3A_6 = scf.for %scan3A_137 = %scan3A_2 to %scan3A_4 step %scan3A_5 iter_args(%scan3A_138 = %scan3A) -> (i32)  : i32 {
      %scan3A_139 = arith.constant 0 : i32
      %scan3A_140 = arith.constant 0 : i32
      %scan3A_141 = arith.constant 4 : i32
      %scan3A_142 = arith.addi %scan3A_140, %scan3A_141 : i32
      %scan3A_143 = arith.constant 1 : i32
      %scan3A_144 = scf.for %scan3A_146 = %scan3A_140 to %scan3A_142 step %scan3A_143 iter_args(%scan3A_147 = %scan3A_139) -> (i32)  : i32 {
        %mul3A_148 = arith.constant 16 : i32
        %mul3A_149 = arith.muli %scan3A_146, %mul3A_148 : i32
        %swap3A = arith.index_cast %scan3A_137 : i32 to index
        %swap3A_150 = arith.index_cast %mul3A_149 : i32 to index
        %swap3A_151 = tpu.vector_load %arg8[%swap3A, %swap3A_150] {strides = array<i32>} : memref<64x64xf32, #tpu.memory_space<vmem>>, vector<16xf32>,
        tpu.vector_store %arg8[%swap3A, %swap3A_150], %broadcast_in_dim3A_1 {strides = array<i32>} : memref<64x64xf32, #tpu.memory_space<vmem>>, vector<16xf32>,
        %scan3A_152 = arith.constant 0 : i32
        scf.yield %scan3A_152 : i32
      }
      %scan3A_145 = arith.constant 4 : i32
      scf.yield %scan3A_144 : i32
    }
    %scan3A_7 = arith.constant 64 : i32
    %scan3A_8 = arith.constant 0 : i32
    %scan3A_9 = arith.constant 0 : i32
    %scan3A_10 = arith.constant 10 : i32
    %scan3A_11 = arith.addi %scan3A_9, %scan3A_10 : i32
    %scan3A_12 = arith.constant 1 : i32
    %scan3A_13 = scf.for %scan3A_137 = %scan3A_9 to %scan3A_11 step %scan3A_12 iter_args(%scan3A_138 = %scan3A_8) -> (i32)  : i32 {
      %mul3A_139 = arith.constant 640 : i32
      %mul3A_140 = arith.muli %arg1, %mul3A_139 : i32
      %mul3A_141 = arith.constant 64 : i32
      %mul3A_142 = arith.muli %scan3A_137, %mul3A_141 : i32
      %add3A_143 = arith.addi %mul3A_140, %mul3A_142 : i32
      "tpu.region"() ({
        %run_scoped3A_145 = tpu.sem_alloc : memref<!tpu.dma_semaphore, #tpu.memory_space<semaphore_mem>>
        %dma_start3A_146 = arith.constant 0 : i32
        %dma_start3A_147 = tpu.memref_slice %arg9[%add3A_143, %dma_start3A_146] : memref<10240x64xf32, #tpu.memory_space<vmem_shared>> -> memref<64x64xf32, #tpu.memory_space<vmem_shared>>
        %dma_start3A_148 = arith.constant 0 : i32
        %dma_start3A_149 = tpu.memref_slice %arg9[%add3A_143, %dma_start3A_148] : memref<10240x64xf32, #tpu.memory_space<vmem_shared>> -> memref<64x64xf32, #tpu.memory_space<vmem_shared>>
        tpu.enqueue_dma source(%arg8 : memref<64x64xf32, #tpu.memory_space<vmem>>) target(%dma_start3A_149 : memref<64x64xf32, #tpu.memory_space<vmem_shared>>) target_semaphore(%run_scoped3A_145 : memref<!tpu.dma_semaphore, #tpu.memory_space<semaphore_mem>>)
        %dma_wait3A_150 = arith.constant 0 : i32
        %dma_wait3A_151 = tpu.memref_slice %arg9[%add3A_143, %dma_wait3A_150] : memref<10240x64xf32, #tpu.memory_space<vmem_shared>> -> memref<64x64xf32, #tpu.memory_space<vmem_shared>>
        %dma_wait3A_152 = arith.constant 0 : i32
        %dma_wait3A_153 = tpu.memref_slice %arg9[%add3A_143, %dma_wait3A_152] : memref<10240x64xf32, #tpu.memory_space<vmem_shared>> -> memref<64x64xf32, #tpu.memory_space<vmem_shared>>
        tpu.wait_dma2 semaphore(%run_scoped3A_145 : memref<!tpu.dma_semaphore, #tpu.memory_space<semaphore_mem>>) src(%arg8 : memref<64x64xf32, #tpu.memory_space<vmem>>) dst(%dma_wait3A_153 : memref<64x64xf32, #tpu.memory_space<vmem_shared>>)
        tpu.yield
      }) : () -> ()
      %scan3A_144 = arith.constant 0 : i32
      scf.yield %scan3A_144 : i32
    }
    %scan3A_14 = arith.constant 10 : i32
    %barrier3A = arith.constant 0 : index
    tpu.barrier barrier_id(%barrier3A)
    %mul3A_15 = arith.constant 10000 : i32
    %mul3A_16 = arith.muli %add3A, %mul3A_15 : i32
    %run_scoped3A = arith.constant 0 : i32
    "tpu.region"() ({
      %run_scoped3A_137 = tpu.sem_alloc : memref<!tpu.dma_semaphore, #tpu.memory_space<semaphore_mem>>
      %dma_start3A_138 = tpu.memref_slice %arg3[%run_scoped3A, %mul3A_16] : memref<2x320000xi32, #tpu.memory_space<hbm>> -> memref<1x10000xi32, #tpu.memory_space<hbm>>
      %dma_start3A_139 = tpu.memref_squeeze %dma_start3A_138 : memref<1x10000xi32, #tpu.memory_space<hbm>> -> memref<10000xi32, #tpu.memory_space<hbm>>
      %dma_start3A_140 = tpu.memref_slice %arg3[%run_scoped3A, %mul3A_16] : memref<2x320000xi32, #tpu.memory_space<hbm>> -> memref<1x10000xi32, #tpu.memory_space<hbm>>
      %dma_start3A_141 = tpu.memref_squeeze %dma_start3A_140 : memref<1x10000xi32, #tpu.memory_space<hbm>> -> memref<10000xi32, #tpu.memory_space<hbm>>
      tpu.enqueue_dma source(%dma_start3A_141 : memref<10000xi32, #tpu.memory_space<hbm>>) target(%arg5 : memref<10000xi32, #tpu.memory_space<vmem>>) target_semaphore(%run_scoped3A_137 : memref<!tpu.dma_semaphore, #tpu.memory_space<semaphore_mem>>)
      %dma_wait3A_142 = tpu.memref_slice %arg3[%run_scoped3A, %mul3A_16] : memref<2x320000xi32, #tpu.memory_space<hbm>> -> memref<1x10000xi32, #tpu.memory_space<hbm>>
      %dma_wait3A_143 = tpu.memref_squeeze %dma_wait3A_142 : memref<1x10000xi32, #tpu.memory_space<hbm>> -> memref<10000xi32, #tpu.memory_space<hbm>>
      %dma_wait3A_144 = tpu.memref_slice %arg3[%run_scoped3A, %mul3A_16] : memref<2x320000xi32, #tpu.memory_space<hbm>> -> memref<1x10000xi32, #tpu.memory_space<hbm>>
      %dma_wait3A_145 = tpu.memref_squeeze %dma_wait3A_144 : memref<1x10000xi32, #tpu.memory_space<hbm>> -> memref<10000xi32, #tpu.memory_space<hbm>>
      tpu.wait_dma2 semaphore(%run_scoped3A_137 : memref<!tpu.dma_semaphore, #tpu.memory_space<semaphore_mem>>) src(%dma_wait3A_145 : memref<10000xi32, #tpu.memory_space<hbm>>) dst(%arg5 : memref<10000xi32, #tpu.memory_space<vmem>>)
      tpu.yield
    }) : () -> ()
    %mul3A_17 = arith.constant 10000 : i32
    %mul3A_18 = arith.muli %add3A, %mul3A_17 : i32
    %run_scoped3A_19 = arith.constant 1 : i32
    "tpu.region"() ({
      %run_scoped3A_137 = tpu.sem_alloc : memref<!tpu.dma_semaphore, #tpu.memory_space<semaphore_mem>>
      %dma_start3A_138 = tpu.memref_slice %arg3[%run_scoped3A_19, %mul3A_18] : memref<2x320000xi32, #tpu.memory_space<hbm>> -> memref<1x10000xi32, #tpu.memory_space<hbm>>
      %dma_start3A_139 = tpu.memref_squeeze %dma_start3A_138 : memref<1x10000xi32, #tpu.memory_space<hbm>> -> memref<10000xi32, #tpu.memory_space<hbm>>
      %dma_start3A_140 = tpu.memref_slice %arg3[%run_scoped3A_19, %mul3A_18] : memref<2x320000xi32, #tpu.memory_space<hbm>> -> memref<1x10000xi32, #tpu.memory_space<hbm>>
      %dma_start3A_141 = tpu.memref_squeeze %dma_start3A_140 : memref<1x10000xi32, #tpu.memory_space<hbm>> -> memref<10000xi32, #tpu.memory_space<hbm>>
      tpu.enqueue_dma source(%dma_start3A_141 : memref<10000xi32, #tpu.memory_space<hbm>>) target(%arg6 : memref<10000xi32, #tpu.memory_space<vmem>>) target_semaphore(%run_scoped3A_137 : memref<!tpu.dma_semaphore, #tpu.memory_space<semaphore_mem>>)
      %dma_wait3A_142 = tpu.memref_slice %arg3[%run_scoped3A_19, %mul3A_18] : memref<2x320000xi32, #tpu.memory_space<hbm>> -> memref<1x10000xi32, #tpu.memory_space<hbm>>
      %dma_wait3A_143 = tpu.memref_squeeze %dma_wait3A_142 : memref<1x10000xi32, #tpu.memory_space<hbm>> -> memref<10000xi32, #tpu.memory_space<hbm>>
      %dma_wait3A_144 = tpu.memref_slice %arg3[%run_scoped3A_19, %mul3A_18] : memref<2x320000xi32, #tpu.memory_space<hbm>> -> memref<1x10000xi32, #tpu.memory_space<hbm>>
      %dma_wait3A_145 = tpu.memref_squeeze %dma_wait3A_144 : memref<1x10000xi32, #tpu.memory_space<hbm>> -> memref<10000xi32, #tpu.memory_space<hbm>>
      tpu.wait_dma2 semaphore(%run_scoped3A_137 : memref<!tpu.dma_semaphore, #tpu.memory_space<semaphore_mem>>) src(%dma_wait3A_145 : memref<10000xi32, #tpu.memory_space<hbm>>) dst(%arg6 : memref<10000xi32, #tpu.memory_space<vmem>>)
      tpu.yield
    }) : () -> ()
    %dma_start3A = arith.constant 0 : i32
    %dma_start3A_20 = arith.constant 0 : i32
    %dma_start3A_21 = arith.constant 0 : i32
    %dma_start3A_22 = tpu.memref_slice %arg7[%dma_start3A, %dma_start3A_20, %dma_start3A_21] : memref<2x128x64xf32, #tpu.memory_space<vmem>> -> memref<1x128x64xf32, #tpu.memory_space<vmem>>
    %dma_start3A_23 = tpu.memref_squeeze %dma_start3A_22 : memref<1x128x64xf32, #tpu.memory_space<vmem>> -> memref<128x64xf32, #tpu.memory_space<vmem>>
    %dma_start3A_24 = arith.constant 0 : i32
    %dma_start3A_25 = tpu.memref_slice %arg5[%dma_start3A_24] : memref<10000xi32, #tpu.memory_space<vmem>> -> memref<128xi32, #tpu.memory_space<vmem>>
    %dma_start3A_26 = arith.constant 0 : i32
    %dma_start3A_27 = arith.constant 0 : i32
    %dma_start3A_28 = tpu.memref_slice %arg2[%dma_start3A_26, %dma_start3A_27] : memref<10000x64xf32, #tpu.memory_space<hbm>> -> memref<10000x64xf32, #tpu.memory_space<hbm>>
    tpu.enqueue_indirect_dma source(%dma_start3A_28 : memref<10000x64xf32, #tpu.memory_space<hbm>>) target(%dma_start3A_23 : memref<128x64xf32, #tpu.memory_space<vmem>>) offsets(%dma_start3A_25 : memref<128xi32, #tpu.memory_space<vmem>>) semaphore(%arg10 : memref<!tpu.dma_semaphore, #tpu.memory_space<semaphore_mem>>)
    %dma_wait3A = arith.constant 0 : i32
    %dma_wait3A_29 = arith.constant 0 : i32
    %dma_wait3A_30 = arith.constant 0 : i32
    %dma_wait3A_31 = tpu.memref_slice %arg7[%dma_wait3A, %dma_wait3A_29, %dma_wait3A_30] : memref<2x128x64xf32, #tpu.memory_space<vmem>> -> memref<1x128x64xf32, #tpu.memory_space<vmem>>
    %dma_wait3A_32 = tpu.memref_squeeze %dma_wait3A_31 : memref<1x128x64xf32, #tpu.memory_space<vmem>> -> memref<128x64xf32, #tpu.memory_space<vmem>>
    %dma_wait3A_33 = arith.constant 0 : i32
    %dma_wait3A_34 = tpu.memref_slice %arg5[%dma_wait3A_33] : memref<10000xi32, #tpu.memory_space<vmem>> -> memref<128xi32, #tpu.memory_space<vmem>>
    %dma_wait3A_35 = arith.constant 0 : i32
    %dma_wait3A_36 = arith.constant 0 : i32
    %dma_wait3A_37 = tpu.memref_slice %arg2[%dma_wait3A_35, %dma_wait3A_36] : memref<10000x64xf32, #tpu.memory_space<hbm>> -> memref<10000x64xf32, #tpu.memory_space<hbm>>
    tpu.wait_indirect_dma semaphore(%arg10 : memref<!tpu.dma_semaphore, #tpu.memory_space<semaphore_mem>>) src(%dma_wait3A_37 : memref<10000x64xf32, #tpu.memory_space<hbm>>) dst(%dma_wait3A_32 : memref<128x64xf32, #tpu.memory_space<vmem>>)
    %scan3A_38 = arith.constant 0 : i32
    %scan3A_39 = arith.constant 0 : i32
    %scan3A_40 = arith.constant 38 : i32
    %scan3A_41 = arith.addi %scan3A_39, %scan3A_40 : i32
    %scan3A_42 = arith.constant 1 : i32
    %scan3A_43 = scf.for %scan3A_137 = %scan3A_39 to %scan3A_41 step %scan3A_42 iter_args(%scan3A_138 = %scan3A_38) -> (i32)  : i32 {
      %mul3A_139 = arith.constant 2 : i32
      %mul3A_140 = arith.muli %mul3A_139, %scan3A_137 : i32
      %mul3A_141 = arith.constant 128 : i32
      %mul3A_142 = arith.muli %mul3A_140, %mul3A_141 : i32
      %dma_start3A_143 = arith.constant 0 : i32
      %dma_start3A_144 = arith.constant 0 : i32
      %dma_start3A_145 = arith.constant 0 : i32
      %dma_start3A_146 = tpu.memref_slice %arg7[%dma_start3A_143, %dma_start3A_144, %dma_start3A_145] : memref<2x128x64xf32, #tpu.memory_space<vmem>> -> memref<1x128x64xf32, #tpu.memory_space<vmem>>
      %dma_start3A_147 = tpu.memref_squeeze %dma_start3A_146 : memref<1x128x64xf32, #tpu.memory_space<vmem>> -> memref<128x64xf32, #tpu.memory_space<vmem>>
      %dma_start3A_148 = tpu.memref_slice %arg6[%mul3A_142] : memref<10000xi32, #tpu.memory_space<vmem>> -> memref<128xi32, #tpu.memory_space<vmem>>
      %dma_start3A_149 = arith.constant 0 : i32
      %dma_start3A_150 = arith.constant 0 : i32
      %dma_start3A_151 = tpu.memref_slice %arg9[%dma_start3A_149, %dma_start3A_150] : memref<10240x64xf32, #tpu.memory_space<vmem_shared>> -> memref<10240x64xf32, #tpu.memory_space<vmem_shared>>
      tpu.enqueue_indirect_dma source(%dma_start3A_147 : memref<128x64xf32, #tpu.memory_space<vmem>>) target(%dma_start3A_151 : memref<10240x64xf32, #tpu.memory_space<vmem_shared>>) offsets(%dma_start3A_148 : memref<128xi32, #tpu.memory_space<vmem>>) semaphore(%arg11 : memref<!tpu.dma_semaphore, #tpu.memory_space<semaphore_mem>>) {add = true}
      %add3A_152 = arith.constant 1 : i32
      %add3A_153 = arith.addi %mul3A_140, %add3A_152 : i32
      %mul3A_154 = arith.constant 128 : i32
      %mul3A_155 = arith.muli %add3A_153, %mul3A_154 : i32
      %dma_start3A_156 = arith.constant 1 : i32
      %dma_start3A_157 = arith.constant 0 : i32
      %dma_start3A_158 = arith.constant 0 : i32
      %dma_start3A_159 = tpu.memref_slice %arg7[%dma_start3A_156, %dma_start3A_157, %dma_start3A_158] : memref<2x128x64xf32, #tpu.memory_space<vmem>> -> memref<1x128x64xf32, #tpu.memory_space<vmem>>
      %dma_start3A_160 = tpu.memref_squeeze %dma_start3A_159 : memref<1x128x64xf32, #tpu.memory_space<vmem>> -> memref<128x64xf32, #tpu.memory_space<vmem>>
      %dma_start3A_161 = tpu.memref_slice %arg5[%mul3A_155] : memref<10000xi32, #tpu.memory_space<vmem>> -> memref<128xi32, #tpu.memory_space<vmem>>
      %dma_start3A_162 = arith.constant 0 : i32
      %dma_start3A_163 = arith.constant 0 : i32
      %dma_start3A_164 = tpu.memref_slice %arg2[%dma_start3A_162, %dma_start3A_163] : memref<10000x64xf32, #tpu.memory_space<hbm>> -> memref<10000x64xf32, #tpu.memory_space<hbm>>
      tpu.enqueue_indirect_dma source(%dma_start3A_164 : memref<10000x64xf32, #tpu.memory_space<hbm>>) target(%dma_start3A_160 : memref<128x64xf32, #tpu.memory_space<vmem>>) offsets(%dma_start3A_161 : memref<128xi32, #tpu.memory_space<vmem>>) semaphore(%arg10 : memref<!tpu.dma_semaphore, #tpu.memory_space<semaphore_mem>>)
      %dma_wait3A_165 = arith.constant 1 : i32
      %dma_wait3A_166 = arith.constant 0 : i32
      %dma_wait3A_167 = arith.constant 0 : i32
      %dma_wait3A_168 = tpu.memref_slice %arg7[%dma_wait3A_165, %dma_wait3A_166, %dma_wait3A_167] : memref<2x128x64xf32, #tpu.memory_space<vmem>> -> memref<1x128x64xf32, #tpu.memory_space<vmem>>
      %dma_wait3A_169 = tpu.memref_squeeze %dma_wait3A_168 : memref<1x128x64xf32, #tpu.memory_space<vmem>> -> memref<128x64xf32, #tpu.memory_space<vmem>>
      %dma_wait3A_170 = tpu.memref_slice %arg5[%mul3A_155] : memref<10000xi32, #tpu.memory_space<vmem>> -> memref<128xi32, #tpu.memory_space<vmem>>
      %dma_wait3A_171 = arith.constant 0 : i32
      %dma_wait3A_172 = arith.constant 0 : i32
      %dma_wait3A_173 = tpu.memref_slice %arg2[%dma_wait3A_171, %dma_wait3A_172] : memref<10000x64xf32, #tpu.memory_space<hbm>> -> memref<10000x64xf32, #tpu.memory_space<hbm>>
      tpu.wait_indirect_dma semaphore(%arg10 : memref<!tpu.dma_semaphore, #tpu.memory_space<semaphore_mem>>) src(%dma_wait3A_173 : memref<10000x64xf32, #tpu.memory_space<hbm>>) dst(%dma_wait3A_169 : memref<128x64xf32, #tpu.memory_space<vmem>>)
      %mul3A_174 = arith.constant 128 : i32
      %mul3A_175 = arith.muli %mul3A_140, %mul3A_174 : i32
      %dma_wait3A_176 = arith.constant 0 : i32
      %dma_wait3A_177 = arith.constant 0 : i32
      %dma_wait3A_178 = arith.constant 0 : i32
      %dma_wait3A_179 = tpu.memref_slice %arg7[%dma_wait3A_176, %dma_wait3A_177, %dma_wait3A_178] : memref<2x128x64xf32, #tpu.memory_space<vmem>> -> memref<1x128x64xf32, #tpu.memory_space<vmem>>
      %dma_wait3A_180 = tpu.memref_squeeze %dma_wait3A_179 : memref<1x128x64xf32, #tpu.memory_space<vmem>> -> memref<128x64xf32, #tpu.memory_space<vmem>>
      %dma_wait3A_181 = tpu.memref_slice %arg6[%mul3A_175] : memref<10000xi32, #tpu.memory_space<vmem>> -> memref<128xi32, #tpu.memory_space<vmem>>
      %dma_wait3A_182 = arith.constant 0 : i32
      %dma_wait3A_183 = arith.constant 0 : i32
      %dma_wait3A_184 = tpu.memref_slice %arg9[%dma_wait3A_182, %dma_wait3A_183] : memref<10240x64xf32, #tpu.memory_space<vmem_shared>> -> memref<10240x64xf32, #tpu.memory_space<vmem_shared>>
      tpu.wait_indirect_dma semaphore(%arg11 : memref<!tpu.dma_semaphore, #tpu.memory_space<semaphore_mem>>) src(%dma_wait3A_180 : memref<128x64xf32, #tpu.memory_space<vmem>>) dst(%dma_wait3A_184 : memref<10240x64xf32, #tpu.memory_space<vmem_shared>>)
      %add3A_185 = arith.constant 1 : i32
      %add3A_186 = arith.addi %mul3A_140, %add3A_185 : i32
      %mul3A_187 = arith.constant 128 : i32
      %mul3A_188 = arith.muli %add3A_186, %mul3A_187 : i32
      %dma_start3A_189 = arith.constant 1 : i32
      %dma_start3A_190 = arith.constant 0 : i32
      %dma_start3A_191 = arith.constant 0 : i32
      %dma_start3A_192 = tpu.memref_slice %arg7[%dma_start3A_189, %dma_start3A_190, %dma_start3A_191] : memref<2x128x64xf32, #tpu.memory_space<vmem>> -> memref<1x128x64xf32, #tpu.memory_space<vmem>>
      %dma_start3A_193 = tpu.memref_squeeze %dma_start3A_192 : memref<1x128x64xf32, #tpu.memory_space<vmem>> -> memref<128x64xf32, #tpu.memory_space<vmem>>
      %dma_start3A_194 = tpu.memref_slice %arg6[%mul3A_188] : memref<10000xi32, #tpu.memory_space<vmem>> -> memref<128xi32, #tpu.memory_space<vmem>>
      %dma_start3A_195 = arith.constant 0 : i32
      %dma_start3A_196 = arith.constant 0 : i32
      %dma_start3A_197 = tpu.memref_slice %arg9[%dma_start3A_195, %dma_start3A_196] : memref<10240x64xf32, #tpu.memory_space<vmem_shared>> -> memref<10240x64xf32, #tpu.memory_space<vmem_shared>>
      tpu.enqueue_indirect_dma source(%dma_start3A_193 : memref<128x64xf32, #tpu.memory_space<vmem>>) target(%dma_start3A_197 : memref<10240x64xf32, #tpu.memory_space<vmem_shared>>) offsets(%dma_start3A_194 : memref<128xi32, #tpu.memory_space<vmem>>) semaphore(%arg11 : memref<!tpu.dma_semaphore, #tpu.memory_space<semaphore_mem>>) {add = true}
      %add3A_198 = arith.constant 2 : i32
      %add3A_199 = arith.addi %mul3A_140, %add3A_198 : i32
      %mul3A_200 = arith.constant 128 : i32
      %mul3A_201 = arith.muli %add3A_199, %mul3A_200 : i32
      %dma_start3A_202 = arith.constant 0 : i32
      %dma_start3A_203 = arith.constant 0 : i32
      %dma_start3A_204 = arith.constant 0 : i32
      %dma_start3A_205 = tpu.memref_slice %arg7[%dma_start3A_202, %dma_start3A_203, %dma_start3A_204] : memref<2x128x64xf32, #tpu.memory_space<vmem>> -> memref<1x128x64xf32, #tpu.memory_space<vmem>>
      %dma_start3A_206 = tpu.memref_squeeze %dma_start3A_205 : memref<1x128x64xf32, #tpu.memory_space<vmem>> -> memref<128x64xf32, #tpu.memory_space<vmem>>
      %dma_start3A_207 = tpu.memref_slice %arg5[%mul3A_201] : memref<10000xi32, #tpu.memory_space<vmem>> -> memref<128xi32, #tpu.memory_space<vmem>>
      %dma_start3A_208 = arith.constant 0 : i32
      %dma_start3A_209 = arith.constant 0 : i32
      %dma_start3A_210 = tpu.memref_slice %arg2[%dma_start3A_208, %dma_start3A_209] : memref<10000x64xf32, #tpu.memory_space<hbm>> -> memref<10000x64xf32, #tpu.memory_space<hbm>>
      tpu.enqueue_indirect_dma source(%dma_start3A_210 : memref<10000x64xf32, #tpu.memory_space<hbm>>) target(%dma_start3A_206 : memref<128x64xf32, #tpu.memory_space<vmem>>) offsets(%dma_start3A_207 : memref<128xi32, #tpu.memory_space<vmem>>) semaphore(%arg10 : memref<!tpu.dma_semaphore, #tpu.memory_space<semaphore_mem>>)
      %dma_wait3A_211 = arith.constant 0 : i32
      %dma_wait3A_212 = arith.constant 0 : i32
      %dma_wait3A_213 = arith.constant 0 : i32
      %dma_wait3A_214 = tpu.memref_slice %arg7[%dma_wait3A_211, %dma_wait3A_212, %dma_wait3A_213] : memref<2x128x64xf32, #tpu.memory_space<vmem>> -> memref<1x128x64xf32, #tpu.memory_space<vmem>>
      %dma_wait3A_215 = tpu.memref_squeeze %dma_wait3A_214 : memref<1x128x64xf32, #tpu.memory_space<vmem>> -> memref<128x64xf32, #tpu.memory_space<vmem>>
      %dma_wait3A_216 = tpu.memref_slice %arg5[%mul3A_201] : memref<10000xi32, #tpu.memory_space<vmem>> -> memref<128xi32, #tpu.memory_space<vmem>>
      %dma_wait3A_217 = arith.constant 0 : i32
      %dma_wait3A_218 = arith.constant 0 : i32
      %dma_wait3A_219 = tpu.memref_slice %arg2[%dma_wait3A_217, %dma_wait3A_218] : memref<10000x64xf32, #tpu.memory_space<hbm>> -> memref<10000x64xf32, #tpu.memory_space<hbm>>
      tpu.wait_indirect_dma semaphore(%arg10 : memref<!tpu.dma_semaphore, #tpu.memory_space<semaphore_mem>>) src(%dma_wait3A_219 : memref<10000x64xf32, #tpu.memory_space<hbm>>) dst(%dma_wait3A_215 : memref<128x64xf32, #tpu.memory_space<vmem>>)
      %add3A_220 = arith.constant 1 : i32
      %add3A_221 = arith.addi %mul3A_140, %add3A_220 : i32
      %mul3A_222 = arith.constant 128 : i32
      %mul3A_223 = arith.muli %add3A_221, %mul3A_222 : i32
      %dma_wait3A_224 = arith.constant 1 : i32
      %dma_wait3A_225 = arith.constant 0 : i32
      %dma_wait3A_226 = arith.constant 0 : i32
      %dma_wait3A_227 = tpu.memref_slice %arg7[%dma_wait3A_224, %dma_wait3A_225, %dma_wait3A_226] : memref<2x128x64xf32, #tpu.memory_space<vmem>> -> memref<1x128x64xf32, #tpu.memory_space<vmem>>
      %dma_wait3A_228 = tpu.memref_squeeze %dma_wait3A_227 : memref<1x128x64xf32, #tpu.memory_space<vmem>> -> memref<128x64xf32, #tpu.memory_space<vmem>>
      %dma_wait3A_229 = tpu.memref_slice %arg6[%mul3A_223] : memref<10000xi32, #tpu.memory_space<vmem>> -> memref<128xi32, #tpu.memory_space<vmem>>
      %dma_wait3A_230 = arith.constant 0 : i32
      %dma_wait3A_231 = arith.constant 0 : i32
      %dma_wait3A_232 = tpu.memref_slice %arg9[%dma_wait3A_230, %dma_wait3A_231] : memref<10240x64xf32, #tpu.memory_space<vmem_shared>> -> memref<10240x64xf32, #tpu.memory_space<vmem_shared>>
      tpu.wait_indirect_dma semaphore(%arg11 : memref<!tpu.dma_semaphore, #tpu.memory_space<semaphore_mem>>) src(%dma_wait3A_228 : memref<128x64xf32, #tpu.memory_space<vmem>>) dst(%dma_wait3A_232 : memref<10240x64xf32, #tpu.memory_space<vmem_shared>>)
      %scan3A_233 = arith.constant 0 : i32
      scf.yield %scan3A_233 : i32
    }
    %scan3A_44 = arith.constant 38 : i32
    %dma_start3A_45 = arith.constant 0 : i32
    %dma_start3A_46 = arith.constant 0 : i32
    %dma_start3A_47 = arith.constant 0 : i32
    %dma_start3A_48 = tpu.memref_slice %arg7[%dma_start3A_45, %dma_start3A_46, %dma_start3A_47] : memref<2x128x64xf32, #tpu.memory_space<vmem>> -> memref<1x128x64xf32, #tpu.memory_space<vmem>>
    %dma_start3A_49 = tpu.memref_squeeze %dma_start3A_48 : memref<1x128x64xf32, #tpu.memory_space<vmem>> -> memref<128x64xf32, #tpu.memory_space<vmem>>
    %dma_start3A_50 = arith.constant 9728 : i32
    %dma_start3A_51 = tpu.memref_slice %arg6[%dma_start3A_50] : memref<10000xi32, #tpu.memory_space<vmem>> -> memref<128xi32, #tpu.memory_space<vmem>>
    %dma_start3A_52 = arith.constant 0 : i32
    %dma_start3A_53 = arith.constant 0 : i32
    %dma_start3A_54 = tpu.memref_slice %arg9[%dma_start3A_52, %dma_start3A_53] : memref<10240x64xf32, #tpu.memory_space<vmem_shared>> -> memref<10240x64xf32, #tpu.memory_space<vmem_shared>>
    tpu.enqueue_indirect_dma source(%dma_start3A_49 : memref<128x64xf32, #tpu.memory_space<vmem>>) target(%dma_start3A_54 : memref<10240x64xf32, #tpu.memory_space<vmem_shared>>) offsets(%dma_start3A_51 : memref<128xi32, #tpu.memory_space<vmem>>) semaphore(%arg11 : memref<!tpu.dma_semaphore, #tpu.memory_space<semaphore_mem>>) {add = true}
    %dma_start3A_55 = arith.constant 1 : i32
    %dma_start3A_56 = arith.constant 0 : i32
    %dma_start3A_57 = arith.constant 0 : i32
    %dma_start3A_58 = tpu.memref_slice %arg7[%dma_start3A_55, %dma_start3A_56, %dma_start3A_57] : memref<2x128x64xf32, #tpu.memory_space<vmem>> -> memref<1x128x64xf32, #tpu.memory_space<vmem>>
    %dma_start3A_59 = tpu.memref_squeeze %dma_start3A_58 : memref<1x128x64xf32, #tpu.memory_space<vmem>> -> memref<128x64xf32, #tpu.memory_space<vmem>>
    %dma_start3A_60 = arith.constant 9856 : i32
    %dma_start3A_61 = tpu.memref_slice %arg5[%dma_start3A_60] : memref<10000xi32, #tpu.memory_space<vmem>> -> memref<128xi32, #tpu.memory_space<vmem>>
    %dma_start3A_62 = arith.constant 0 : i32
    %dma_start3A_63 = arith.constant 0 : i32
    %dma_start3A_64 = tpu.memref_slice %arg2[%dma_start3A_62, %dma_start3A_63] : memref<10000x64xf32, #tpu.memory_space<hbm>> -> memref<10000x64xf32, #tpu.memory_space<hbm>>
    tpu.enqueue_indirect_dma source(%dma_start3A_64 : memref<10000x64xf32, #tpu.memory_space<hbm>>) target(%dma_start3A_59 : memref<128x64xf32, #tpu.memory_space<vmem>>) offsets(%dma_start3A_61 : memref<128xi32, #tpu.memory_space<vmem>>) semaphore(%arg10 : memref<!tpu.dma_semaphore, #tpu.memory_space<semaphore_mem>>)
    %dma_wait3A_65 = arith.constant 1 : i32
    %dma_wait3A_66 = arith.constant 0 : i32
    %dma_wait3A_67 = arith.constant 0 : i32
    %dma_wait3A_68 = tpu.memref_slice %arg7[%dma_wait3A_65, %dma_wait3A_66, %dma_wait3A_67] : memref<2x128x64xf32, #tpu.memory_space<vmem>> -> memref<1x128x64xf32, #tpu.memory_space<vmem>>
    %dma_wait3A_69 = tpu.memref_squeeze %dma_wait3A_68 : memref<1x128x64xf32, #tpu.memory_space<vmem>> -> memref<128x64xf32, #tpu.memory_space<vmem>>
    %dma_wait3A_70 = arith.constant 9856 : i32
    %dma_wait3A_71 = tpu.memref_slice %arg5[%dma_wait3A_70] : memref<10000xi32, #tpu.memory_space<vmem>> -> memref<128xi32, #tpu.memory_space<vmem>>
    %dma_wait3A_72 = arith.constant 0 : i32
    %dma_wait3A_73 = arith.constant 0 : i32
    %dma_wait3A_74 = tpu.memref_slice %arg2[%dma_wait3A_72, %dma_wait3A_73] : memref<10000x64xf32, #tpu.memory_space<hbm>> -> memref<10000x64xf32, #tpu.memory_space<hbm>>
    tpu.wait_indirect_dma semaphore(%arg10 : memref<!tpu.dma_semaphore, #tpu.memory_space<semaphore_mem>>) src(%dma_wait3A_74 : memref<10000x64xf32, #tpu.memory_space<hbm>>) dst(%dma_wait3A_69 : memref<128x64xf32, #tpu.memory_space<vmem>>)
    %dma_wait3A_75 = arith.constant 0 : i32
    %dma_wait3A_76 = arith.constant 0 : i32
    %dma_wait3A_77 = arith.constant 0 : i32
    %dma_wait3A_78 = tpu.memref_slice %arg7[%dma_wait3A_75, %dma_wait3A_76, %dma_wait3A_77] : memref<2x128x64xf32, #tpu.memory_space<vmem>> -> memref<1x128x64xf32, #tpu.memory_space<vmem>>
    %dma_wait3A_79 = tpu.memref_squeeze %dma_wait3A_78 : memref<1x128x64xf32, #tpu.memory_space<vmem>> -> memref<128x64xf32, #tpu.memory_space<vmem>>
    %dma_wait3A_80 = arith.constant 9728 : i32
    %dma_wait3A_81 = tpu.memref_slice %arg6[%dma_wait3A_80] : memref<10000xi32, #tpu.memory_space<vmem>> -> memref<128xi32, #tpu.memory_space<vmem>>
    %dma_wait3A_82 = arith.constant 0 : i32
    %dma_wait3A_83 = arith.constant 0 : i32
    %dma_wait3A_84 = tpu.memref_slice %arg9[%dma_wait3A_82, %dma_wait3A_83] : memref<10240x64xf32, #tpu.memory_space<vmem_shared>> -> memref<10240x64xf32, #tpu.memory_space<vmem_shared>>
    tpu.wait_indirect_dma semaphore(%arg11 : memref<!tpu.dma_semaphore, #tpu.memory_space<semaphore_mem>>) src(%dma_wait3A_79 : memref<128x64xf32, #tpu.memory_space<vmem>>) dst(%dma_wait3A_84 : memref<10240x64xf32, #tpu.memory_space<vmem_shared>>)
    %dma_start3A_85 = arith.constant 1 : i32
    %dma_start3A_86 = arith.constant 0 : i32
    %dma_start3A_87 = arith.constant 0 : i32
    %dma_start3A_88 = tpu.memref_slice %arg7[%dma_start3A_85, %dma_start3A_86, %dma_start3A_87] : memref<2x128x64xf32, #tpu.memory_space<vmem>> -> memref<1x128x64xf32, #tpu.memory_space<vmem>>
    %dma_start3A_89 = tpu.memref_squeeze %dma_start3A_88 : memref<1x128x64xf32, #tpu.memory_space<vmem>> -> memref<128x64xf32, #tpu.memory_space<vmem>>
    %dma_start3A_90 = arith.constant 9856 : i32
    %dma_start3A_91 = tpu.memref_slice %arg6[%dma_start3A_90] : memref<10000xi32, #tpu.memory_space<vmem>> -> memref<128xi32, #tpu.memory_space<vmem>>
    %dma_start3A_92 = arith.constant 0 : i32
    %dma_start3A_93 = arith.constant 0 : i32
    %dma_start3A_94 = tpu.memref_slice %arg9[%dma_start3A_92, %dma_start3A_93] : memref<10240x64xf32, #tpu.memory_space<vmem_shared>> -> memref<10240x64xf32, #tpu.memory_space<vmem_shared>>
    tpu.enqueue_indirect_dma source(%dma_start3A_89 : memref<128x64xf32, #tpu.memory_space<vmem>>) target(%dma_start3A_94 : memref<10240x64xf32, #tpu.memory_space<vmem_shared>>) offsets(%dma_start3A_91 : memref<128xi32, #tpu.memory_space<vmem>>) semaphore(%arg11 : memref<!tpu.dma_semaphore, #tpu.memory_space<semaphore_mem>>) {add = true}
    %dma_start3A_95 = arith.constant 0 : i32
    %dma_start3A_96 = arith.constant 0 : i32
    %dma_start3A_97 = arith.constant 0 : i32
    %dma_start3A_98 = tpu.memref_slice %arg7[%dma_start3A_95, %dma_start3A_96, %dma_start3A_97] : memref<2x128x64xf32, #tpu.memory_space<vmem>> -> memref<1x128x64xf32, #tpu.memory_space<vmem>>
    %dma_start3A_99 = tpu.memref_squeeze %dma_start3A_98 : memref<1x128x64xf32, #tpu.memory_space<vmem>> -> memref<128x64xf32, #tpu.memory_space<vmem>>
    %dma_start3A_100 = arith.constant 0 : i32
    %dma_start3A_101 = arith.constant 0 : i32
    %dma_start3A_102 = tpu.memref_slice %dma_start3A_99[%dma_start3A_100, %dma_start3A_101] : memref<128x64xf32, #tpu.memory_space<vmem>> -> memref<16x64xf32, #tpu.memory_space<vmem>>
    %dma_start3A_103 = arith.constant 9984 : i32
    %dma_start3A_104 = tpu.memref_slice %arg5[%dma_start3A_103] : memref<10000xi32, #tpu.memory_space<vmem>> -> memref<16xi32, #tpu.memory_space<vmem>>
    %dma_start3A_105 = arith.constant 0 : i32
    %dma_start3A_106 = arith.constant 0 : i32
    %dma_start3A_107 = tpu.memref_slice %arg2[%dma_start3A_105, %dma_start3A_106] : memref<10000x64xf32, #tpu.memory_space<hbm>> -> memref<10000x64xf32, #tpu.memory_space<hbm>>
    tpu.enqueue_indirect_dma source(%dma_start3A_107 : memref<10000x64xf32, #tpu.memory_space<hbm>>) target(%dma_start3A_102 : memref<16x64xf32, #tpu.memory_space<vmem>>) offsets(%dma_start3A_104 : memref<16xi32, #tpu.memory_space<vmem>>) semaphore(%arg10 : memref<!tpu.dma_semaphore, #tpu.memory_space<semaphore_mem>>)
    %dma_wait3A_108 = arith.constant 0 : i32
    %dma_wait3A_109 = arith.constant 0 : i32
    %dma_wait3A_110 = arith.constant 0 : i32
    %dma_wait3A_111 = tpu.memref_slice %arg7[%dma_wait3A_108, %dma_wait3A_109, %dma_wait3A_110] : memref<2x128x64xf32, #tpu.memory_space<vmem>> -> memref<1x128x64xf32, #tpu.memory_space<vmem>>
    %dma_wait3A_112 = tpu.memref_squeeze %dma_wait3A_111 : memref<1x128x64xf32, #tpu.memory_space<vmem>> -> memref<128x64xf32, #tpu.memory_space<vmem>>
    %dma_wait3A_113 = arith.constant 0 : i32
    %dma_wait3A_114 = arith.constant 0 : i32
    %dma_wait3A_115 = tpu.memref_slice %dma_wait3A_112[%dma_wait3A_113, %dma_wait3A_114] : memref<128x64xf32, #tpu.memory_space<vmem>> -> memref<16x64xf32, #tpu.memory_space<vmem>>
    %dma_wait3A_116 = arith.constant 9984 : i32
    %dma_wait3A_117 = tpu.memref_slice %arg5[%dma_wait3A_116] : memref<10000xi32, #tpu.memory_space<vmem>> -> memref<16xi32, #tpu.memory_space<vmem>>
    %dma_wait3A_118 = arith.constant 0 : i32
    %dma_wait3A_119 = arith.constant 0 : i32
    %dma_wait3A_120 = tpu.memref_slice %arg2[%dma_wait3A_118, %dma_wait3A_119] : memref<10000x64xf32, #tpu.memory_space<hbm>> -> memref<10000x64xf32, #tpu.memory_space<hbm>>
    tpu.wait_indirect_dma semaphore(%arg10 : memref<!tpu.dma_semaphore, #tpu.memory_space<semaphore_mem>>) src(%dma_wait3A_120 : memref<10000x64xf32, #tpu.memory_space<hbm>>) dst(%dma_wait3A_115 : memref<16x64xf32, #tpu.memory_space<vmem>>)
    %dma_wait3A_121 = arith.constant 1 : i32
    %dma_wait3A_122 = arith.constant 0 : i32
    %dma_wait3A_123 = arith.constant 0 : i32
    %dma_wait3A_124 = tpu.memref_slice %arg7[%dma_wait3A_121, %dma_wait3A_122, %dma_wait3A_123] : memref<2x128x64xf32, #tpu.memory_space<vmem>> -> memref<1x128x64xf32, #tpu.memory_space<vmem>>
    %dma_wait3A_125 = tpu.memref_squeeze %dma_wait3A_124 : memref<1x128x64xf32, #tpu.memory_space<vmem>> -> memref<128x64xf32, #tpu.memory_space<vmem>>
    %dma_wait3A_126 = arith.constant 9856 : i32
    %dma_wait3A_127 = tpu.memref_slice %arg6[%dma_wait3A_126] : memref<10000xi32, #tpu.memory_space<vmem>> -> memref<128xi32, #tpu.memory_space<vmem>>
    %dma_wait3A_128 = arith.constant 0 : i32
    %dma_wait3A_129 = arith.constant 0 : i32
    %dma_wait3A_130 = tpu.memref_slice %arg9[%dma_wait3A_128, %dma_wait3A_129] : memref<10240x64xf32, #tpu.memory_space<vmem_shared>> -> memref<10240x64xf32, #tpu.memory_space<vmem_shared>>
    tpu.wait_indirect_dma semaphore(%arg11 : memref<!tpu.dma_semaphore, #tpu.memory_space<semaphore_mem>>) src(%dma_wait3A_125 : memref<128x64xf32, #tpu.memory_space<vmem>>) dst(%dma_wait3A_130 : memref<10240x64xf32, #tpu.memory_space<vmem_shared>>)
    %run_scoped3A_131 = arith.constant 0 : i32
    "tpu.region"() ({
      %run_scoped3A_137 = tpu.sem_alloc : memref<!tpu.dma_semaphore, #tpu.memory_space<semaphore_mem>>
      %dma_start3A_138 = arith.constant 0 : i32
      %dma_start3A_139 = arith.constant 0 : i32
      %dma_start3A_140 = tpu.memref_slice %arg7[%run_scoped3A_131, %dma_start3A_138, %dma_start3A_139] : memref<2x128x64xf32, #tpu.memory_space<vmem>> -> memref<1x128x64xf32, #tpu.memory_space<vmem>>
      %dma_start3A_141 = tpu.memref_squeeze %dma_start3A_140 : memref<1x128x64xf32, #tpu.memory_space<vmem>> -> memref<128x64xf32, #tpu.memory_space<vmem>>
      %dma_start3A_142 = arith.constant 0 : i32
      %dma_start3A_143 = arith.constant 0 : i32
      %dma_start3A_144 = tpu.memref_slice %dma_start3A_141[%dma_start3A_142, %dma_start3A_143] : memref<128x64xf32, #tpu.memory_space<vmem>> -> memref<16x64xf32, #tpu.memory_space<vmem>>
      %dma_start3A_145 = arith.constant 9984 : i32
      %dma_start3A_146 = tpu.memref_slice %arg6[%dma_start3A_145] : memref<10000xi32, #tpu.memory_space<vmem>> -> memref<16xi32, #tpu.memory_space<vmem>>
      %dma_start3A_147 = arith.constant 0 : i32
      %dma_start3A_148 = arith.constant 0 : i32
      %dma_start3A_149 = tpu.memref_slice %arg9[%dma_start3A_147, %dma_start3A_148] : memref<10240x64xf32, #tpu.memory_space<vmem_shared>> -> memref<10240x64xf32, #tpu.memory_space<vmem_shared>>
      tpu.enqueue_indirect_dma source(%dma_start3A_144 : memref<16x64xf32, #tpu.memory_space<vmem>>) target(%dma_start3A_149 : memref<10240x64xf32, #tpu.memory_space<vmem_shared>>) offsets(%dma_start3A_146 : memref<16xi32, #tpu.memory_space<vmem>>) semaphore(%run_scoped3A_137 : memref<!tpu.dma_semaphore, #tpu.memory_space<semaphore_mem>>) {add = true}
      %dma_wait3A_150 = arith.constant 0 : i32
      %dma_wait3A_151 = arith.constant 0 : i32
      %dma_wait3A_152 = tpu.memref_slice %arg7[%run_scoped3A_131, %dma_wait3A_150, %dma_wait3A_151] : memref<2x128x64xf32, #tpu.memory_space<vmem>> -> memref<1x128x64xf32, #tpu.memory_space<vmem>>
      %dma_wait3A_153 = tpu.memref_squeeze %dma_wait3A_152 : memref<1x128x64xf32, #tpu.memory_space<vmem>> -> memref<128x64xf32, #tpu.memory_space<vmem>>
      %dma_wait3A_154 = arith.constant 0 : i32
      %dma_wait3A_155 = arith.constant 0 : i32
      %dma_wait3A_156 = tpu.memref_slice %dma_wait3A_153[%dma_wait3A_154, %dma_wait3A_155] : memref<128x64xf32, #tpu.memory_space<vmem>> -> memref<16x64xf32, #tpu.memory_space<vmem>>
      %dma_wait3A_157 = arith.constant 9984 : i32
      %dma_wait3A_158 = tpu.memref_slice %arg6[%dma_wait3A_157] : memref<10000xi32, #tpu.memory_space<vmem>> -> memref<16xi32, #tpu.memory_space<vmem>>
      %dma_wait3A_159 = arith.constant 0 : i32
      %dma_wait3A_160 = arith.constant 0 : i32
      %dma_wait3A_161 = tpu.memref_slice %arg9[%dma_wait3A_159, %dma_wait3A_160] : memref<10240x64xf32, #tpu.memory_space<vmem_shared>> -> memref<10240x64xf32, #tpu.memory_space<vmem_shared>>
      tpu.wait_indirect_dma semaphore(%run_scoped3A_137 : memref<!tpu.dma_semaphore, #tpu.memory_space<semaphore_mem>>) src(%dma_wait3A_156 : memref<16x64xf32, #tpu.memory_space<vmem>>) dst(%dma_wait3A_161 : memref<10240x64xf32, #tpu.memory_space<vmem_shared>>)
      tpu.yield
    }) : () -> ()
    %barrier3A_132 = arith.constant 0 : index
    tpu.barrier barrier_id(%barrier3A_132)
    %mul3A_133 = arith.constant 640 : i32
    %mul3A_134 = arith.muli %arg1, %mul3A_133 : i32
    %mul3A_135 = arith.constant 640 : i32
    %mul3A_136 = arith.muli %arg1, %mul3A_135 : i32
    "tpu.region"() ({
      %run_scoped3A_137 = tpu.sem_alloc : memref<!tpu.dma_semaphore, #tpu.memory_space<semaphore_mem>>
      %dma_start3A_138 = arith.constant 0 : i32
      %dma_start3A_139 = tpu.memref_slice %arg4[%arg0, %mul3A_136, %dma_start3A_138] : memref<2x10240x64xf32, #tpu.memory_space<hbm>> -> memref<1x640x64xf32, #tpu.memory_space<hbm>>
      %dma_start3A_140 = tpu.memref_squeeze %dma_start3A_139 : memref<1x640x64xf32, #tpu.memory_space<hbm>> -> memref<640x64xf32, #tpu.memory_space<hbm>>
      %dma_start3A_141 = arith.constant 0 : i32
      %dma_start3A_142 = tpu.memref_slice %arg9[%mul3A_134, %dma_start3A_141] : memref<10240x64xf32, #tpu.memory_space<vmem_shared>> -> memref<640x64xf32, #tpu.memory_space<vmem_shared>>
      tpu.enqueue_dma source(%dma_start3A_142 : memref<640x64xf32, #tpu.memory_space<vmem_shared>>) target(%dma_start3A_140 : memref<640x64xf32, #tpu.memory_space<hbm>>) target_semaphore(%run_scoped3A_137 : memref<!tpu.dma_semaphore, #tpu.memory_space<semaphore_mem>>)
      %dma_wait3A_143 = arith.constant 0 : i32
      %dma_wait3A_144 = tpu.memref_slice %arg4[%arg0, %mul3A_136, %dma_wait3A_143] : memref<2x10240x64xf32, #tpu.memory_space<hbm>> -> memref<1x640x64xf32, #tpu.memory_space<hbm>>
      %dma_wait3A_145 = tpu.memref_squeeze %dma_wait3A_144 : memref<1x640x64xf32, #tpu.memory_space<hbm>> -> memref<640x64xf32, #tpu.memory_space<hbm>>
      %dma_wait3A_146 = arith.constant 0 : i32
      %dma_wait3A_147 = tpu.memref_slice %arg9[%mul3A_134, %dma_wait3A_146] : memref<10240x64xf32, #tpu.memory_space<vmem_shared>> -> memref<640x64xf32, #tpu.memory_space<vmem_shared>>
      tpu.wait_dma2 semaphore(%run_scoped3A_137 : memref<!tpu.dma_semaphore, #tpu.memory_space<semaphore_mem>>) src(%dma_wait3A_147 : memref<640x64xf32, #tpu.memory_space<vmem_shared>>) dst(%dma_wait3A_145 : memref<640x64xf32, #tpu.memory_space<hbm>>)
      tpu.yield
    }) : () -> ()
    return
  }
}

module attributes {stable_mosaic.version = 14 : i64} {
  func.func @_tc1a_body(%arg0: i32, %arg1: memref<2048x128xf32, #tpu.memory_space<vmem>>, %arg2: memref<128x64xf32, #tpu.memory_space<vmem>>, %arg3: memref<2048x64xf32, #tpu.memory_space<vmem>>) attributes {dimension_semantics = [#tpu.dimension_semantics<arbitrary>], iteration_bounds = array<i64: 5>, scalar_prefetch = 0 : i64, scratch_operands = 0 : i64, tpu.core_type = #tpu.core_type<tc>, window_params = [{transform_indices = @transform_0, window_bounds = array<i64: 2048, 128>}, {pipeline_mode = #tpu.pipeline_mode<synchronous>, transform_indices = @transform_1, window_bounds = array<i64: 128, 64>}, {transform_indices = @transform_2, window_bounds = array<i64: 2048, 64>}]} {
    %get3A = arith.constant 0 : index
    %get3A_0 = arith.constant 0 : index
    %get3A_1 = vector.load %arg1[%get3A, %get3A_0] : memref<2048x128xf32, #tpu.memory_space<vmem>>, vector<2048x128xf32>
    %get3A_2 = arith.constant 0 : index
    %get3A_3 = arith.constant 0 : index
    %get3A_4 = vector.load %arg2[%get3A_2, %get3A_3] : memref<128x64xf32, #tpu.memory_space<vmem>>, vector<128x64xf32>
    %dot_general3A = arith.constant dense<0.000000e+00> : vector<2048x64xf32>
    %dot_general3A_5 = tpu.matmul %get3A_1, %get3A_4, %dot_general3A {dimension_numbers = #tpu.dot_dimension_numbers<[1], [0], [0], [1], [0, 0, 1, 1], [], []>, transpose_lhs_hint = false} : vector<2048x128xf32>, vector<128x64xf32>, vector<2048x64xf32> -> vector<2048x64xf32>
    %swap3A = arith.constant 0 : index
    %swap3A_6 = arith.constant 0 : index
    %swap3A_7 = vector.load %arg3[%swap3A, %swap3A_6] : memref<2048x64xf32, #tpu.memory_space<vmem>>, vector<2048x64xf32>
    tpu.vector_store %arg3[%swap3A, %swap3A_6], %dot_general3A_5 {strides = array<i32>} : memref<2048x64xf32, #tpu.memory_space<vmem>>, vector<2048x64xf32>,
    return
  }
  func.func @transform_0(%arg0: i32) -> (i32, i32) {
    %c0_i32 = arith.constant 0 : i32
    %c0_i32_0 = arith.constant 0 : i32
    return %arg0, %c0_i32 : i32, i32
  }
  func.func @transform_1(%arg0: i32) -> (i32, i32) {
    %c0_i32 = arith.constant 0 : i32
    %c0_i32_0 = arith.constant 0 : i32
    %c0_i32_1 = arith.constant 0 : i32
    return %c0_i32, %c0_i32_0 : i32, i32
  }
  func.func @transform_2(%arg0: i32) -> (i32, i32) {
    %c0_i32 = arith.constant 0 : i32
    %c0_i32_0 = arith.constant 0 : i32
    return %arg0, %c0_i32 : i32, i32
  }
}

module attributes {stable_mosaic.version = 14 : i64} {
  func.func @_tc1b_body(%arg0: i32, %arg1: memref<2048x64xf32, #tpu.memory_space<vmem>>, %arg2: memref<2x2048xf32, #tpu.memory_space<vmem>>, %arg3: memref<2048x64xf32, #tpu.memory_space<vmem>>) attributes {dimension_semantics = [#tpu.dimension_semantics<arbitrary>], iteration_bounds = array<i64: 5>, scalar_prefetch = 0 : i64, scratch_operands = 0 : i64, tpu.core_type = #tpu.core_type<tc>, window_params = [{transform_indices = @transform_0, window_bounds = array<i64: 2048, 64>}, {transform_indices = @transform_1, window_bounds = array<i64: 2, 2048>}, {transform_indices = @transform_2, window_bounds = array<i64: 2048, 64>}]} {
    %get3A = arith.constant 0 : index
    %get3A_0 = arith.constant 0 : index
    %get3A_1 = vector.load %arg1[%get3A, %get3A_0] : memref<2048x64xf32, #tpu.memory_space<vmem>>, vector<2048x64xf32>
    %get3A_2 = arith.constant 0 : index
    %get3A_3 = arith.constant 0 : index
    %get3A_4 = vector.load %arg2[%get3A_2, %get3A_3] : memref<2x2048xf32, #tpu.memory_space<vmem>>, vector<1x2048xf32>
    %get3A_5 = arith.constant 1 : index
    %get3A_6 = arith.constant 0 : index
    %get3A_7 = vector.load %arg2[%get3A_5, %get3A_6] : memref<2x2048xf32, #tpu.memory_space<vmem>>, vector<1x2048xf32>
    %add3A = arith.addf %get3A_4, %get3A_7 : vector<1x2048xf32>
    %add3A_8 = arith.constant 1.000000e+00 : f32
    %add3A_9 = vector.broadcast %add3A_8 : f32 to vector<1x2048xf32>
    %add3A_10 = arith.addf %add3A, %add3A_9 : vector<1x2048xf32>
    %rsqrt3A = math.rsqrt %add3A_10 : vector<1x2048xf32>
    %reshape3A = vector.shape_cast %rsqrt3A : vector<1x2048xf32> to vector<2048x1xf32>
    %mul3A = vector.broadcast %reshape3A : vector<2048x1xf32> to vector<2048x64xf32>
    %mul3A_11 = arith.mulf %get3A_1, %mul3A : vector<2048x64xf32>
    %swap3A = arith.constant 0 : index
    %swap3A_12 = arith.constant 0 : index
    %swap3A_13 = vector.load %arg3[%swap3A, %swap3A_12] : memref<2048x64xf32, #tpu.memory_space<vmem>>, vector<2048x64xf32>
    tpu.vector_store %arg3[%swap3A, %swap3A_12], %mul3A_11 {strides = array<i32>} : memref<2048x64xf32, #tpu.memory_space<vmem>>, vector<2048x64xf32>,
    return
  }
  func.func @transform_0(%arg0: i32) -> (i32, i32) {
    %c0_i32 = arith.constant 0 : i32
    %c0_i32_0 = arith.constant 0 : i32
    return %arg0, %c0_i32 : i32, i32
  }
  func.func @transform_1(%arg0: i32) -> (i32, i32) {
    %c0_i32 = arith.constant 0 : i32
    %c0_i32_0 = arith.constant 0 : i32
    return %c0_i32, %arg0 : i32, i32
  }
  func.func @transform_2(%arg0: i32) -> (i32, i32) {
    %c0_i32 = arith.constant 0 : i32
    %c0_i32_0 = arith.constant 0 : i32
    return %arg0, %c0_i32 : i32, i32
  }
}

module attributes {stable_mosaic.version = 14 : i64} {
  func.func @_tc2_body(%arg0: i32, %arg1: memref<2x2048x64xf32, #tpu.memory_space<vmem>>, %arg2: memref<2048x64xf32, #tpu.memory_space<vmem>>, %arg3: memref<2x2048xf32, #tpu.memory_space<vmem>>, %arg4: memref<8x64xf32, #tpu.memory_space<vmem>>, %arg5: memref<64x64xf32, #tpu.memory_space<vmem>>, %arg6: memref<2048x64xf32, #tpu.memory_space<vmem>>) attributes {dimension_semantics = [#tpu.dimension_semantics<arbitrary>], iteration_bounds = array<i64: 5>, scalar_prefetch = 0 : i64, scratch_operands = 0 : i64, tpu.core_type = #tpu.core_type<tc>, window_params = [{transform_indices = @transform_0, window_bounds = array<i64: 2, 2048, 64>}, {transform_indices = @transform_1, window_bounds = array<i64: 2048, 64>}, {transform_indices = @transform_2, window_bounds = array<i64: 2, 2048>}, {pipeline_mode = #tpu.pipeline_mode<synchronous>, transform_indices = @transform_3, window_bounds = array<i64: 8, 64>}, {pipeline_mode = #tpu.pipeline_mode<synchronous>, transform_indices = @transform_4, window_bounds = array<i64: 64, 64>}, {transform_indices = @transform_5, window_bounds = array<i64: 2048, 64>}]} {
    %get3A = arith.constant 0 : index
    %get3A_0 = arith.constant 0 : index
    %get3A_1 = vector.load %arg3[%get3A, %get3A_0] : memref<2x2048xf32, #tpu.memory_space<vmem>>, vector<1x2048xf32>
    %get3A_2 = arith.constant 1 : index
    %get3A_3 = arith.constant 0 : index
    %get3A_4 = vector.load %arg3[%get3A_2, %get3A_3] : memref<2x2048xf32, #tpu.memory_space<vmem>>, vector<1x2048xf32>
    %add3A = arith.addf %get3A_1, %get3A_4 : vector<1x2048xf32>
    %add3A_5 = arith.constant 1.000000e+00 : f32
    %add3A_6 = vector.broadcast %add3A_5 : f32 to vector<1x2048xf32>
    %add3A_7 = arith.addf %add3A, %add3A_6 : vector<1x2048xf32>
    %rsqrt3A = math.rsqrt %add3A_7 : vector<1x2048xf32>
    %reshape3A = vector.shape_cast %rsqrt3A : vector<1x2048xf32> to vector<2048x1xf32>
    %get3A_8 = arith.constant 0 : index
    %get3A_9 = arith.constant 0 : index
    %get3A_10 = arith.constant 0 : index
    %get3A_11 = vector.load %arg1[%get3A_8, %get3A_9, %get3A_10] : memref<2x2048x64xf32, #tpu.memory_space<vmem>>, vector<1x2048x64xf32>
    %get3A_12 = vector.shape_cast %get3A_11 : vector<1x2048x64xf32> to vector<2048x64xf32>
    %get3A_13 = arith.constant 1 : index
    %get3A_14 = arith.constant 0 : index
    %get3A_15 = arith.constant 0 : index
    %get3A_16 = vector.load %arg1[%get3A_13, %get3A_14, %get3A_15] : memref<2x2048x64xf32, #tpu.memory_space<vmem>>, vector<1x2048x64xf32>
    %get3A_17 = vector.shape_cast %get3A_16 : vector<1x2048x64xf32> to vector<2048x64xf32>
    %add3A_18 = arith.addf %get3A_12, %get3A_17 : vector<2048x64xf32>
    %get3A_19 = arith.constant 0 : index
    %get3A_20 = arith.constant 0 : index
    %get3A_21 = vector.load %arg2[%get3A_19, %get3A_20] : memref<2048x64xf32, #tpu.memory_space<vmem>>, vector<2048x64xf32>
    %add3A_22 = arith.addf %add3A_18, %get3A_21 : vector<2048x64xf32>
    %mul3A = vector.broadcast %reshape3A : vector<2048x1xf32> to vector<2048x64xf32>
    %mul3A_23 = arith.mulf %add3A_22, %mul3A : vector<2048x64xf32>
    %get3A_24 = arith.constant 0 : index
    %get3A_25 = arith.constant 0 : index
    %get3A_26 = vector.load %arg4[%get3A_24, %get3A_25] : memref<8x64xf32, #tpu.memory_space<vmem>>, vector<1x64xf32>
    %add3A_27 = vector.broadcast %get3A_26 : vector<1x64xf32> to vector<2048x64xf32>
    %add3A_28 = arith.addf %mul3A_23, %add3A_27 : vector<2048x64xf32>
    %max3A = arith.constant 0.000000e+00 : f32
    %max3A_29 = vector.broadcast %max3A : f32 to vector<2048x64xf32>
    %max3A_30 = arith.maximumf %add3A_28, %max3A_29 : vector<2048x64xf32>
    %get3A_31 = arith.constant 0 : index
    %get3A_32 = arith.constant 0 : index
    %get3A_33 = vector.load %arg5[%get3A_31, %get3A_32] : memref<64x64xf32, #tpu.memory_space<vmem>>, vector<64x64xf32>
    %dot_general3A = arith.constant dense<0.000000e+00> : vector<2048x64xf32>
    %dot_general3A_34 = tpu.matmul %max3A_30, %get3A_33, %dot_general3A {dimension_numbers = #tpu.dot_dimension_numbers<[1], [0], [0], [1], [0, 0, 1, 1], [], []>, transpose_lhs_hint = false} : vector<2048x64xf32>, vector<64x64xf32>, vector<2048x64xf32> -> vector<2048x64xf32>
    %mul3A_35 = vector.broadcast %reshape3A : vector<2048x1xf32> to vector<2048x64xf32>
    %mul3A_36 = arith.mulf %dot_general3A_34, %mul3A_35 : vector<2048x64xf32>
    %swap3A = arith.constant 0 : index
    %swap3A_37 = arith.constant 0 : index
    %swap3A_38 = vector.load %arg6[%swap3A, %swap3A_37] : memref<2048x64xf32, #tpu.memory_space<vmem>>, vector<2048x64xf32>
    tpu.vector_store %arg6[%swap3A, %swap3A_37], %mul3A_36 {strides = array<i32>} : memref<2048x64xf32, #tpu.memory_space<vmem>>, vector<2048x64xf32>,
    return
  }
  func.func @transform_0(%arg0: i32) -> (i32, i32, i32) {
    %c0_i32 = arith.constant 0 : i32
    %c0_i32_0 = arith.constant 0 : i32
    %c0_i32_1 = arith.constant 0 : i32
    return %c0_i32, %arg0, %c0_i32_0 : i32, i32, i32
  }
  func.func @transform_1(%arg0: i32) -> (i32, i32) {
    %c0_i32 = arith.constant 0 : i32
    %c0_i32_0 = arith.constant 0 : i32
    return %arg0, %c0_i32 : i32, i32
  }
  func.func @transform_2(%arg0: i32) -> (i32, i32) {
    %c0_i32 = arith.constant 0 : i32
    %c0_i32_0 = arith.constant 0 : i32
    return %c0_i32, %arg0 : i32, i32
  }
  func.func @transform_3(%arg0: i32) -> (i32, i32) {
    %c0_i32 = arith.constant 0 : i32
    %c0_i32_0 = arith.constant 0 : i32
    %c0_i32_1 = arith.constant 0 : i32
    return %c0_i32, %c0_i32_0 : i32, i32
  }
  func.func @transform_4(%arg0: i32) -> (i32, i32) {
    %c0_i32 = arith.constant 0 : i32
    %c0_i32_0 = arith.constant 0 : i32
    %c0_i32_1 = arith.constant 0 : i32
    return %c0_i32, %c0_i32_0 : i32, i32
  }
  func.func @transform_5(%arg0: i32) -> (i32, i32) {
    %c0_i32 = arith.constant 0 : i32
    %c0_i32_0 = arith.constant 0 : i32
    return %arg0, %c0_i32 : i32, i32
  }
}

module attributes {stable_mosaic.version = 14 : i64} {
  func.func @_tc3_body(%arg0: i32, %arg1: memref<2x2048x64xf32, #tpu.memory_space<vmem>>, %arg2: memref<2048x64xf32, #tpu.memory_space<vmem>>, %arg3: memref<2x2048xf32, #tpu.memory_space<vmem>>, %arg4: memref<8x64xf32, #tpu.memory_space<vmem>>, %arg5: memref<64x1xf32, #tpu.memory_space<vmem>>, %arg6: memref<8x1xf32, #tpu.memory_space<vmem>>, %arg7: memref<2048x1xf32, #tpu.memory_space<vmem>>) attributes {dimension_semantics = [#tpu.dimension_semantics<arbitrary>], iteration_bounds = array<i64: 5>, scalar_prefetch = 0 : i64, scratch_operands = 0 : i64, tpu.core_type = #tpu.core_type<tc>, window_params = [{transform_indices = @transform_0, window_bounds = array<i64: 2, 2048, 64>}, {transform_indices = @transform_1, window_bounds = array<i64: 2048, 64>}, {transform_indices = @transform_2, window_bounds = array<i64: 2, 2048>}, {pipeline_mode = #tpu.pipeline_mode<synchronous>, transform_indices = @transform_3, window_bounds = array<i64: 8, 64>}, {pipeline_mode = #tpu.pipeline_mode<synchronous>, transform_indices = @transform_4, window_bounds = array<i64: 64, 1>}, {pipeline_mode = #tpu.pipeline_mode<synchronous>, transform_indices = @transform_5, window_bounds = array<i64: 8, 1>}, {transform_indices = @transform_6, window_bounds = array<i64: 2048, 1>}]} {
    %get3A = arith.constant 0 : index
    %get3A_0 = arith.constant 0 : index
    %get3A_1 = vector.load %arg3[%get3A, %get3A_0] : memref<2x2048xf32, #tpu.memory_space<vmem>>, vector<1x2048xf32>
    %get3A_2 = arith.constant 1 : index
    %get3A_3 = arith.constant 0 : index
    %get3A_4 = vector.load %arg3[%get3A_2, %get3A_3] : memref<2x2048xf32, #tpu.memory_space<vmem>>, vector<1x2048xf32>
    %add3A = arith.addf %get3A_1, %get3A_4 : vector<1x2048xf32>
    %add3A_5 = arith.constant 1.000000e+00 : f32
    %add3A_6 = vector.broadcast %add3A_5 : f32 to vector<1x2048xf32>
    %add3A_7 = arith.addf %add3A, %add3A_6 : vector<1x2048xf32>
    %rsqrt3A = math.rsqrt %add3A_7 : vector<1x2048xf32>
    %reshape3A = vector.shape_cast %rsqrt3A : vector<1x2048xf32> to vector<2048x1xf32>
    %get3A_8 = arith.constant 0 : index
    %get3A_9 = arith.constant 0 : index
    %get3A_10 = arith.constant 0 : index
    %get3A_11 = vector.load %arg1[%get3A_8, %get3A_9, %get3A_10] : memref<2x2048x64xf32, #tpu.memory_space<vmem>>, vector<1x2048x64xf32>
    %get3A_12 = vector.shape_cast %get3A_11 : vector<1x2048x64xf32> to vector<2048x64xf32>
    %get3A_13 = arith.constant 1 : index
    %get3A_14 = arith.constant 0 : index
    %get3A_15 = arith.constant 0 : index
    %get3A_16 = vector.load %arg1[%get3A_13, %get3A_14, %get3A_15] : memref<2x2048x64xf32, #tpu.memory_space<vmem>>, vector<1x2048x64xf32>
    %get3A_17 = vector.shape_cast %get3A_16 : vector<1x2048x64xf32> to vector<2048x64xf32>
    %add3A_18 = arith.addf %get3A_12, %get3A_17 : vector<2048x64xf32>
    %get3A_19 = arith.constant 0 : index
    %get3A_20 = arith.constant 0 : index
    %get3A_21 = vector.load %arg2[%get3A_19, %get3A_20] : memref<2048x64xf32, #tpu.memory_space<vmem>>, vector<2048x64xf32>
    %add3A_22 = arith.addf %add3A_18, %get3A_21 : vector<2048x64xf32>
    %mul3A = vector.broadcast %reshape3A : vector<2048x1xf32> to vector<2048x64xf32>
    %mul3A_23 = arith.mulf %add3A_22, %mul3A : vector<2048x64xf32>
    %get3A_24 = arith.constant 0 : index
    %get3A_25 = arith.constant 0 : index
    %get3A_26 = vector.load %arg4[%get3A_24, %get3A_25] : memref<8x64xf32, #tpu.memory_space<vmem>>, vector<1x64xf32>
    %add3A_27 = vector.broadcast %get3A_26 : vector<1x64xf32> to vector<2048x64xf32>
    %add3A_28 = arith.addf %mul3A_23, %add3A_27 : vector<2048x64xf32>
    %max3A = arith.constant 0.000000e+00 : f32
    %max3A_29 = vector.broadcast %max3A : f32 to vector<2048x64xf32>
    %max3A_30 = arith.maximumf %add3A_28, %max3A_29 : vector<2048x64xf32>
    %get3A_31 = arith.constant 0 : index
    %get3A_32 = arith.constant 0 : index
    %get3A_33 = vector.load %arg5[%get3A_31, %get3A_32] : memref<64x1xf32, #tpu.memory_space<vmem>>, vector<64x1xf32>
    %dot_general3A = arith.constant dense<0.000000e+00> : vector<2048x1xf32>
    %dot_general3A_34 = tpu.matmul %max3A_30, %get3A_33, %dot_general3A {dimension_numbers = #tpu.dot_dimension_numbers<[1], [0], [0], [1], [0, 0, 1, 1], [], []>, transpose_lhs_hint = false} : vector<2048x64xf32>, vector<64x1xf32>, vector<2048x1xf32> -> vector<2048x1xf32>
    %get3A_35 = arith.constant 0 : index
    %get3A_36 = arith.constant 0 : index
    %get3A_37 = vector.load %arg6[%get3A_35, %get3A_36] : memref<8x1xf32, #tpu.memory_space<vmem>>, vector<1x1xf32>
    %add3A_38 = vector.broadcast %get3A_37 : vector<1x1xf32> to vector<2048x1xf32>
    %add3A_39 = arith.addf %dot_general3A_34, %add3A_38 : vector<2048x1xf32>
    %logistic3A = arith.negf %add3A_39 : vector<2048x1xf32>
    %logistic3A_40 = math.exp %logistic3A : vector<2048x1xf32>
    %logistic3A_41 = arith.constant 1.000000e+00 : f32
    %logistic3A_42 = vector.broadcast %logistic3A_41 : f32 to vector<2048x1xf32>
    %logistic3A_43 = arith.addf %logistic3A_42, %logistic3A_40 : vector<2048x1xf32>
    %logistic3A_44 = arith.divf %logistic3A_42, %logistic3A_43 : vector<2048x1xf32>
    %swap3A = arith.constant 0 : index
    %swap3A_45 = arith.constant 0 : index
    %swap3A_46 = vector.load %arg7[%swap3A, %swap3A_45] : memref<2048x1xf32, #tpu.memory_space<vmem>>, vector<2048x1xf32>
    tpu.vector_store %arg7[%swap3A, %swap3A_45], %logistic3A_44 {strides = array<i32>} : memref<2048x1xf32, #tpu.memory_space<vmem>>, vector<2048x1xf32>,
    return
  }
  func.func @transform_0(%arg0: i32) -> (i32, i32, i32) {
    %c0_i32 = arith.constant 0 : i32
    %c0_i32_0 = arith.constant 0 : i32
    %c0_i32_1 = arith.constant 0 : i32
    return %c0_i32, %arg0, %c0_i32_0 : i32, i32, i32
  }
  func.func @transform_1(%arg0: i32) -> (i32, i32) {
    %c0_i32 = arith.constant 0 : i32
    %c0_i32_0 = arith.constant 0 : i32
    return %arg0, %c0_i32 : i32, i32
  }
  func.func @transform_2(%arg0: i32) -> (i32, i32) {
    %c0_i32 = arith.constant 0 : i32
    %c0_i32_0 = arith.constant 0 : i32
    return %c0_i32, %arg0 : i32, i32
  }
  func.func @transform_3(%arg0: i32) -> (i32, i32) {
    %c0_i32 = arith.constant 0 : i32
    %c0_i32_0 = arith.constant 0 : i32
    %c0_i32_1 = arith.constant 0 : i32
    return %c0_i32, %c0_i32_0 : i32, i32
  }
  func.func @transform_4(%arg0: i32) -> (i32, i32) {
    %c0_i32 = arith.constant 0 : i32
    %c0_i32_0 = arith.constant 0 : i32
    %c0_i32_1 = arith.constant 0 : i32
    return %c0_i32, %c0_i32_0 : i32, i32
  }
  func.func @transform_5(%arg0: i32) -> (i32, i32) {
    %c0_i32 = arith.constant 0 : i32
    %c0_i32_0 = arith.constant 0 : i32
    %c0_i32_1 = arith.constant 0 : i32
    return %c0_i32, %c0_i32_0 : i32, i32
  }
  func.func @transform_6(%arg0: i32) -> (i32, i32) {
    %c0_i32 = arith.constant 0 : i32
    %c0_i32_0 = arith.constant 0 : i32
    return %arg0, %c0_i32 : i32, i32
  }
}

</mosaic_0001>

<sc_bundles>
// kernel: kernel.12.cloned.1.call-start
scs
__scs_entry_jumppad:
0x0: {  	(pc) =	sbr.rel $0x88, $3  }
0x1: {  	(tag) =	ssettag $0x0;
	lr =	simm.s32 $0x1  }
0x2: {  	[smem:$0x3F99] =	sst lr;
	_ =	strace $0xD0000000  }
0x3: {  	_ = 	snop  }
0x4: {  	_ = 	snop  }
0x5: {  	_ = 	snop  }
0x6: {  	_ = 	snop  }
0x7: {  	_ = 	snop  }
__scs_overlays_trampoline_lowered:
0x8: {  	[smem:$0x3FA8] =	sst s0  }
0x9: {  	[smem:$0x3FA9] =	sst s1  }
0xa: {  	[smem:$0x3FAA] =	sst s2  }
0xb: {  	[smem:$0x3FAB] =	sst s3  }
0xc: {  	[smem:$0x3FAC] =	sst s4  }
0xd: {  	[smem:$0x3FAD] =	sst s5  }
0xe: {  	[smem:$0x3FAE] =	sst s6  }
0xf: {  	[smem:$0x3FAF] =	sst s7  }
0x10: {  	[smem:$0x3FB0] =	sst s8  }
0x11: {  	[smem:$0x3FB1] =	sst s9;
	s0 =	simm.s32 @!p0 $0x0  }
0x12: {  	s1 =	sld [smem:$0x3F97];
	s0 =	simm.s32 @p0 $0x1  }
0x13: {  	[smem:$0x3FB2] =	sst s0;
	s0 =	simm.s32 @!p1 $0x0  }
0x14: {  	s2 =	sld [smem:$0x3F96];
	s0 =	simm.s32 @p1 $0x1  }
0x15: {  	[smem:$0x3FB3] =	sst s0;
	s0 =	simm.s32 @!p2 $0x0  }
0x16: {  	s3 =	sld [smem:$0x3FDB];
	s0 =	simm.s32 @p2 $0x1  }
0x17: {  	s4 =	simm.s32 $0x1BF5;
	[smem:$0x3FB5] =	sst s0  }
0x18: {  	s0 =	sld [smem:$0x3F98];
	_ =	swait.ge [sflag:s4], $0x0  }
0x19: {  	s7 =	sld [smem:$0x3F99]  }
0x1a: {  	s8 =	sadd.s32 $0xFFFFE003, lr  }
0x1b: {  	s9 =	sadd.s32 $0xFFFFFEF7, lr;
	s5 =	simm.s32 $0xFFFFFFFF;
	p2 =	slt.u32 s8, $0xFFFFF086  }
0x1c: {  	p1 =	slt.u32 s9, $0xF7A;
	s5 =	simm.s32 @!p2 $0x0  }
0x1d: {  	s5 =	simm.s32 @p1 $0x1;
	p0 =	seq.s32 s7, s2  }
0x1e: {  	s7 =	smul.u32 @!p0 $0xF7A, s2;
	p2 =	seq.s32 @!p0 s5, $0x0  }
0x1f: {  	s9 =	smul.u32 $0xF7A, s1;
	s8 =	simm.s32 @!p0 $0x1BF5;
	p2 =	por !p2, p0  }
0x20: {  	[sflag:s8] =	ssyncset.s32 @!p0 $0xFFFFF086;
	s6 =	sadd.s32 @!p0 s3, s7;
	s7 =	simm.s32 @!p0 $0x108  }
0x21: {  	s3 =	sadd.s32 s3, s9;
	s6 =	sadd.s32 @!p0 $0x88, s6;
	s7 =	simm.s32 @p2 $0x1082  }
0x22: {  	[simem:s7], [sflag:s8] =	dma.local @!p0 [hbm:s6], $0xF7A  }
0x23: {  	s9 =	sor.u32 $0xD0000000, s2;
	s6 =	simm.s32 $0x108;
	_ =	swait.ge @!p0 [sflag:s8], $0x0  }
0x24: {  	s3 =	sadd.s32 $0x88, s3;
	s6 =	simm.s32 @!p1 $0x1082;
	[sflag:s4] =	ssyncset.s32 $0xFFFFF086  }
0x25: {  	[simem:s6], [sflag:s4] =	dma.local [hbm:s3], $0xF7A  }
0x26: {  	[smem:$0x3F99] =	sst s1;
	(tag) =	ssettag s2;
	_ =	strace s9  }
0x27: {  	s1 =	sld [smem:$0x3FA9]  }
0x28: {  	s2 =	sld [smem:$0x3FAA]  }
0x29: {  	s4 =	sld [smem:$0x3FAC]  }
0x2a: {  	p0 =	seq.s32 s5, $0x0;
	s5 =	sld [smem:$0x3FAD]  }
0x2b: {  	s6 =	sld [smem:$0x3FAE]  }
0x2c: {  	s7 =	sld [smem:$0x3FAF]  }
0x2d: {  	s3 =	simm.s32 $0x108;
	s8 =	sld [smem:$0x3FB0]  }
0x2e: {  	s3 =	simm.s32 @!p0 $0x1082;
	s9 =	sld [smem:$0x3FB1]  }
0x2f: {  	lr =	sadd.s32 s0, s3;
	s0 =	sld [smem:$0x3FA8]  }
0x30: {  	s3 =	sld [smem:$0x3FAB]  }
0x31: {  	[smem:$0x3FB4] =	sst s10  }
0x32: {  	s10 =	sld [smem:$0x3FB2];
	_ =	sdelay $0x3  }
0x33: {  	p0 =	seq.s32 s10, $0x1;
	s10 =	sld [smem:$0x3FB4];
	_ =	sdelay $0x3  }
0x34: {  	[smem:$0x3FB4] =	sst s10  }
0x35: {  	s10 =	sld [smem:$0x3FB3];
	_ =	sdelay $0x3  }
0x36: {  	p1 =	seq.s32 s10, $0x1;
	s10 =	sld [smem:$0x3FB4];
	_ =	sdelay $0x3  }
0x37: {  	[smem:$0x3FB4] =	sst s10  }
0x38: {  	s10 =	sld [smem:$0x3FB5]  }
0x39: {  	_ = 	snop;
	(pc) =	sbr.ind lr, $3  }
0x3a: {  	_ = 	snop  }
0x3b: {  	_ = 	snop  }
0x3c: {  	p2 =	seq.s32 s10, $0x1;
	s10 =	sld [smem:$0x3FB4]  }
0x3d: {  	_ =	shalt  }
0x3e: {  	_ =	shalt  }
0x3f: {  	_ =	shalt  }
0x40: {  	_ =	shalt  }
0x41: {  	_ =	shalt  }
0x42: {  	_ =	shalt  }
0x43: {  	_ =	shalt  }
0x44: {  	_ =	shalt  }
0x45: {  	_ =	shalt  }
0x46: {  	_ =	shalt  }
0x47: {  	_ =	shalt  }
0x48: {  	_ =	shalt  }
0x49: {  	_ =	shalt  }
0x4a: {  	_ =	shalt  }
0x4b: {  	_ =	shalt  }
0x4c: {  	_ =	shalt  }
0x4d: {  	_ =	shalt  }
0x4e: {  	_ =	shalt  }
0x4f: {  	_ =	shalt  }
0x50: {  	_ =	shalt  }
0x51: {  	_ =	shalt  }
0x52: {  	_ =	shalt  }
0x53: {  	_ =	shalt  }
0x54: {  	_ =	shalt  }
0x55: {  	_ =	shalt  }
0x56: {  	_ =	shalt  }
0x57: {  	_ =	shalt  }
0x58: {  	_ =	shalt  }
0x59: {  	_ =	shalt  }
0x5a: {  	_ =	shalt  }
0x5b: {  	_ =	shalt  }
0x5c: {  	_ =	shalt  }
0x5d: {  	_ =	shalt  }
0x5e: {  	_ =	shalt  }
0x5f: {  	_ =	shalt  }
0x60: {  	_ =	shalt  }
0x61: {  	_ =	shalt  }
0x62: {  	_ =	shalt  }
0x63: {  	_ =	shalt  }
0x64: {  	_ =	shalt  }
0x65: {  	_ =	shalt  }
0x66: {  	_ =	shalt  }
0x67: {  	_ =	shalt  }
0x68: {  	_ =	shalt  }
0x69: {  	_ =	shalt  }
0x6a: {  	_ =	shalt  }
0x6b: {  	_ =	shalt  }
0x6c: {  	_ =	shalt  }
0x6d: {  	_ =	shalt  }
0x6e: {  	_ =	shalt  }
0x6f: {  	_ =	shalt  }
0x70: {  	_ =	shalt  }
0x71: {  	_ =	shalt  }
0x72: {  	_ =	shalt  }
0x73: {  	_ =	shalt  }
0x74: {  	_ =	shalt  }
0x75: {  	_ =	shalt  }
0x76: {  	_ =	shalt  }
0x77: {  	_ =	shalt  }
0x78: {  	_ =	shalt  }
0x79: {  	_ =	shalt  }
0x7a: {  	_ =	shalt  }
0x7b: {  	_ =	shalt  }
0x7c: {  	_ =	shalt  }
0x7d: {  	_ =	shalt  }
0x7e: {  	_ =	shalt  }
0x7f: {  	_ =	shalt  }
0x80: {  	_ =	shalt  }
0x81: {  	_ =	shalt  }
0x82: {  	_ =	shalt  }
0x83: {  	_ =	shalt  }
0x84: {  	_ =	shalt  }
0x85: {  	_ =	shalt  }
0x86: {  	_ =	shalt  }
0x87: {  	_ =	shalt  }
.Lfunc_end0:
.L_simem_size_0:
called_computation.1_lowered:
.L_overlay_start_0:
0x88: {  	s2 =	sld [smem:$0x3FD9]  }
0x89: {  	s3 =	sld [smem:$0x3FFE];
	_ =	sdelay $0x1  }
0x8a: {  	s1 =	srdreg.scid  }
0x8b: {  	s0 =	sand.u32 $0x1, s1  }
0x8c: {  	s16 =	sshll.u32 s0, $0xA;
	s2 =	sadd.s32 s3, s2  }
0x8d: {  	s2 =	sadd.s32 s2, s16  }
0x8e: {  	[smem:$0x3FC0] =	sst s2  }
0x8f: {  	_ = 	snop  }
0x90: {  	(tm) =	ssettm $0x1  }
0x91: {  	s17 =	sld [smem:$0x3FFB];
	_ =	sdelay $0x3  }
0x92: {  	_ =	strace s17  }
0x93: {  	s2 =	sld [smem:$0x3FFC];
	_ =	sdelay $0x3  }
0x94: {  	_ =	strace s2  }
0x95: {  	s2 =	sld [smem:$0x3FFD];
	_ =	sdelay $0x3  }
0x96: {  	_ =	strace s2  }
0x97: {  	_ =	strace $0x8FFFFFFF  }
0x98: {  	s18 =	sld [smem:$0x3FDB];
	_ =	sdelay $0x1  }
0x99: {  	s19 =	simm.s32 $_scs_section_size  }
0x9a: {  	s4 =	simm.s32 $_size__tile_overlayer_lowered;
	s5 =	simm.s32 $_tile_overlayer_lowered  }
0x9b: {  	s22 =	simm.s32 $0x1BFF;
	s21 =	sshll.u32 s5, $0x1;
	s2 =	sadd.s32 s19, s18  }
0x9c: {  	s6 =	simm.s32 $0x0;
	s20 =	sshll.u32 s4, $0x1;
	s4 =	sadd.s32 s21, s2  }
0x9d: {  	[timem:s6], [sflag:s22] =	dma.local [hbm:s4], s20  }
0x9e: {  	_ =	swait.ge [sflag:s22], s20  }
0x9f: {  	s3 =	ssub.s32 $0x0, s20;
	[sflag:s22] =	ssyncset.done $0x0  }
0xa0: {  	[sflag:s22] =	ssyncadd.s32 s3;
	_ =	sdelay $0x1  }
0xa1: {  	s23 =	simm.s32 $0x1B8B  }
0xa2: {  	_ =	swait.ge [sflag:s23], $0x1  }
0xa3: {  	[sflag:s23] =	ssyncset.done $0x0  }
0xa4: {  	s25 =	simm.s32 $0x1B8E;
	s24 =	sld [smem:$0x3FFE];
	[sflag:s23] =	ssyncadd.s32 $0xFFFFFFFF  }
0xa5: {  	s26 =	simm.s32 $execute0_lowered;
	[smem:$0x3FD2] =	sst s25  }
0xa6: {  	s4 =	sshll.u32 s26, $0x1;
	_ =	strace $0x80000049;
	[dreg:$0x1] =	wrdreg $0xFFFFFFFF  }
0xa7: {  	s28 =	simm.s32 $_size_execute0_lowered;
	s2 =	sadd.s32 s2, s4;
	[dreg:$0x0] =	wrdreg $0x0  }
0xa8: {  	s4 =	sshll.u32 s28, $0x1;
	[dreg:$0x2] =	wrdreg s2  }
0xa9: {  	[dreg:$0x3] =	wrdreg s4  }
0xaa: {  	[dreg:$0x4] =	wrdreg $0xC0  }
0xab: {  	_ =	task [dreg:s6], $0x5FFFF  }
0xac: {  	[dreg:$0x1] =	wrdreg $0xFFFFFFFF  }
0xad: {  	[dreg:$0x0] =	wrdreg $0x60  }
0xae: {  	[dreg:$0x2] =	wrdreg s24  }
0xaf: {  	[dreg:$0x3] =	wrdreg $0x9E200  }
0xb0: {  	[dreg:$0x4] =	wrdreg $0x9  }
0xb1: {  	_ =	task.clear_ibuf [dreg:s6], $0x5FFFF;
	_ =	strace $0x90000049  }
0xb2: {  	s29 =	simm.s32 $0x9;
	_ =	strace $0x8000004B  }
0xb3: {  	_ =	swait.ge [sflag:s29], $0x1  }
0xb4: {  	[sflag:s29] =	ssyncadd.s32 $0xFFFFFFFF  }
0xb5: {  	_ =	strace $0x9000004B  }
0xb6: {  	_ =	sfence  }
0xb7: {  	s30 =	sld [smem:$0x0];
	_ =	sdelay $0x2  }
0xb8: {  	s31 =	sshll.u32 s1, $0xD;
	s1 =	sshrl.u32 s1, $0x2  }
0xb9: {  	s3 =	sand.u32 $0x4000, s31;
	s1 =	sadd.s32 s1, s30  }
0xba: {  	s0 =	sor.u32 s3, s0;
	s1 =	sshll.u32 s1, $0x11  }
0xbb: {  	s0 =	sor.u32 s1, s0  }
0xbc: {  	s0 =	sadd.s32 $0x8F2B, s0  }
0xbd: {  	[sflag:s0] =	ssyncadd.remote.s32 $0x1  }
0xbe: {  	_ =	sfence.sel $0xFFFF  }
0xbf: {  	[dreg:$0x0] =	wrdreg $0xFFFFFFFF;
	(pc) =	sbr.abs _section_cstart, $3  }
0xc0: {  	[dreg:$0x1] =	wrdreg $0xFFFFFFFF  }
0xc1: {  	_ =	task.clear_ibuf [dreg:s6], $0x2FFFF;
	_ =	strace $0x9FFFFFFF  }
0xc2: {  	(tm) =	ssettm $0x7FFFFFFF  }
0xc3: {  	_ =	shalt  }
tec
execute0_lowered:
.L_overlay_start_1:
0x0: {  	(tag) =	ssettag $0x1  }
0x1: {  	s0 =	srdreg.scid  }
0x2: {  	s7 =	stileid.u32;
	s5 =	rddreg [dreg:$0x0]  }
0x3: {  	s2 =	rddreg [dreg:$0x1];
	s3 =	simm.s32 $0x0;
	s19 =	simm.s32 $0x8E20  }
0x4: {  	s20 =	simm.s32 $0x3;
	s22 =	simm.s32 $0x80;
	s23 =	simm.s32 $0x4E20  }
0x5: {  	s24 =	simm.s32 $0x1;
	s26 =	simm.s32 $0x6E20;
	s28 =	simm.s32 $0x2  }
0x6: {  	s0 =	sand.u32 $0x1, s0;
	[smem:$0x7FF] =	sst s3;
	s9 =	smul.u32 $0xA000, s7  }
0x7: {  	s4 =	sadd.s32 $0x15800, s5;
	s1 =	sshll.u32 s0, $0x4;
	s6 =	smul.u32 $0xA0000, s0  }
0x8: {  	_ =	strace $0x8000004A;
	s0 =	ssub.s32 $0x2, s0;
	s1 =	sor.u32 s7, s1  }
0x9: {  	s7 =	smul.u32 $0x28000, s7;
	s8 =	sshrl.u32 s0, $0x1;
	s31 =	sadd.s32 s9, s2  }
0xa: {  	s1 =	smul.u32 $0x2710, s1;
	s6 =	sadd.s32 s9, s6;
	s0 =	ssub.s32 s0, s8  }
0xb: {  	s25 =	sshrl.u32 s31, $0x3;
	s6 =	sshrl.u32 s6, $0x3;
	s30 =	sshrl.u32 s7, $0x2  }
0xc: {  	s9 =	smax.u32 s0, $0x1;
	s1 =	sshrl.u32 s1, $0x3;
	s10 =	sadd.s32 s6, s5  }
0xd: {  	s1 =	sadd.s32 s1, s5;
	s5 =	sadd.s32 s30, s2;
	s8 =	sadd.s32 $0x29200, s10  }
0xe: {  	s6 =	sadd.s32 $0x1E00, s1;
	s7 =	sadd.s32 $0xBA40, s1;
	s10 =	sadd.s32 $0x1000, s5  }
0xf: {  	s11 =	sadd.s32 $0x2000, s5;
	s12 =	sadd.s32 $0x3000, s5;
	s13 =	sadd.s32 $0x4000, s5  }
0x10: {  	s14 =	sadd.s32 $0x5000, s5;
	s15 =	sadd.s32 $0x6000, s5;
	s16 =	sadd.s32 $0x7000, s5  }
0x11: {  	v0 =	vimm.f32 $0.0e+00;
	s17 =	sadd.s32 $0x8000, s5;
	s18 =	sadd.s32 $0x9000, s5;
	s1 =	simm.s32 $0x10  }
.LBB2_1:
0x12: {  	s30 =	simm.s32 $0x100;
	s29 =	simm.s32 $0x0  }
.LBB2_2:
0x13: {  	p0 =	sne.s32 s30, $0x3F00;
	[tilespmem:s29+$0x8E50] =	vst v0;
	s31 =	smov.u32 s30;
	s30 =	sadd.s32 $0x100, s30  }
.Ltmp0:
0x14: {  	[tilespmem:s29+$0x8E40] =	vst v0;
	(pc) =	sbr.rel @p0 .LBB2_2-.Ltmp0, $3  }
0x15: {  	[tilespmem:s29+$0x8E20] =	vst v0  }
0x16: {  	[tilespmem:s29+$0x8E30] =	vst v0;
	_ =	sdelay $0x1  }
0x17: {  	s29 =	sshra.s32 s31, $0x2  }
0x18: {  	[tilespmem:s29+$0x8E50] =	vst v0  }
0x19: {  	[tilespmem:s29+$0x8E40] =	vst v0  }
0x1a: {  	[tilespmem:s29+$0x8E20] =	vst v0  }
0x1b: {  	[tilespmem:s29+$0x8E30] =	vst v0  }
0x1c: {  	[spmem:s5] =	stream.linear.scatter [tilespmem:s19], [sflag:$0x3], $0x1000, $0x38;
	[tilespmem:$0x13E20] =	vst v63  }
0x1d: {  	_ =	swait.ge [sflag:s20], $0x1000  }
0x1e: {  	[sflag:s20] =	ssyncset.done $0x0  }
0x1f: {  	[sflag:s20] =	ssyncadd.s32 $0xFFFFF000  }
0x20: {  	[spmem:s10] =	stream.linear.scatter [tilespmem:s19], [sflag:$0x3], $0x1000, $0x38;
	[tilespmem:$0x13E20] =	vst v63  }
0x21: {  	_ =	swait.ge [sflag:s20], $0x1000  }
0x22: {  	[sflag:s20] =	ssyncset.done $0x0  }
0x23: {  	[sflag:s20] =	ssyncadd.s32 $0xFFFFF000  }
0x24: {  	[spmem:s11] =	stream.linear.scatter [tilespmem:s19], [sflag:$0x3], $0x1000, $0x38;
	[tilespmem:$0x13E20] =	vst v63  }
0x25: {  	_ =	swait.ge [sflag:s20], $0x1000  }
0x26: {  	[sflag:s20] =	ssyncset.done $0x0  }
0x27: {  	[sflag:s20] =	ssyncadd.s32 $0xFFFFF000  }
0x28: {  	[spmem:s12] =	stream.linear.scatter [tilespmem:s19], [sflag:$0x3], $0x1000, $0x38;
	[tilespmem:$0x13E20] =	vst v63  }
0x29: {  	_ =	swait.ge [sflag:s20], $0x1000  }
0x2a: {  	[sflag:s20] =	ssyncset.done $0x0  }
0x2b: {  	[sflag:s20] =	ssyncadd.s32 $0xFFFFF000  }
0x2c: {  	[spmem:s13] =	stream.linear.scatter [tilespmem:s19], [sflag:$0x3], $0x1000, $0x38;
	[tilespmem:$0x13E20] =	vst v63  }
0x2d: {  	_ =	swait.ge [sflag:s20], $0x1000  }
0x2e: {  	[sflag:s20] =	ssyncset.done $0x0  }
0x2f: {  	[sflag:s20] =	ssyncadd.s32 $0xFFFFF000  }
0x30: {  	[spmem:s14] =	stream.linear.scatter [tilespmem:s19], [sflag:$0x3], $0x1000, $0x38;
	[tilespmem:$0x13E20] =	vst v63  }
0x31: {  	_ =	swait.ge [sflag:s20], $0x1000  }
0x32: {  	[sflag:s20] =	ssyncset.done $0x0  }
0x33: {  	[sflag:s20] =	ssyncadd.s32 $0xFFFFF000  }
0x34: {  	[spmem:s15] =	stream.linear.scatter [tilespmem:s19], [sflag:$0x3], $0x1000, $0x38;
	[tilespmem:$0x13E20] =	vst v63  }
0x35: {  	_ =	swait.ge [sflag:s20], $0x1000  }
0x36: {  	[sflag:s20] =	ssyncset.done $0x0  }
0x37: {  	[sflag:s20] =	ssyncadd.s32 $0xFFFFF000  }
0x38: {  	[spmem:s16] =	stream.linear.scatter [tilespmem:s19], [sflag:$0x3], $0x1000, $0x38;
	[tilespmem:$0x13E20] =	vst v63  }
0x39: {  	_ =	swait.ge [sflag:s20], $0x1000  }
0x3a: {  	[sflag:s20] =	ssyncset.done $0x0  }
0x3b: {  	[sflag:s20] =	ssyncadd.s32 $0xFFFFF000  }
0x3c: {  	[spmem:s17] =	stream.linear.scatter [tilespmem:s19], [sflag:$0x3], $0x1000, $0x38;
	[tilespmem:$0x13E20] =	vst v63  }
0x3d: {  	_ =	swait.ge [sflag:s20], $0x1000  }
0x3e: {  	[sflag:s20] =	ssyncset.done $0x0  }
0x3f: {  	[sflag:s20] =	ssyncadd.s32 $0xFFFFF000  }
0x40: {  	[spmem:s18] =	stream.linear.scatter [tilespmem:s19], [sflag:$0x3], $0x1000, $0x38;
	[tilespmem:$0x13E20] =	vst v63  }
0x41: {  	_ =	swait.ge [sflag:s20], $0x1000  }
0x42: {  	[sflag:s20] =	ssyncset.done $0x0  }
0x43: {  	[sflag:s20] =	ssyncadd.s32 $0xFFFFF000  }
0x44: {  	s29 =	simm.s32 $0x0;
	[bflag:$0x0] =	sbarrier.arrive $0xFFFF  }
0x45: {  	[tilespmem:s29], [sflag:$0x3] =	stream.linear.gather [hbm4b:s6+s29], $0x2710, $0x38;
	[tilespmem:$0x13E20] =	vst v63  }
0x46: {  	_ =	swait.ge [sflag:s20], $0x2710  }
0x47: {  	[sflag:s20] =	ssyncset.done $0x0  }
0x48: {  	s0 =	simm.s32 $0x2710;
	[sflag:s20] =	ssyncadd.s32 $0xFFFFD8F0  }
0x49: {  	[tilespmem:s0], [sflag:$0x3] =	stream.linear.gather [hbm4b:s7+s29], $0x2710, $0x38;
	[tilespmem:$0x13E20] =	vst v63  }
0x4a: {  	_ =	swait.ge [sflag:s20], $0x2710  }
0x4b: {  	[sflag:s20] =	ssyncset.done $0x0  }
0x4c: {  	[sflag:s20] =	ssyncadd.s32 $0xFFFFD8F0  }
0x4d: {  	[tilespmem:s23], [sflag:$0x1] =	stream.indirect.gather [hbm4b:s4+s22], $0x40, s29, s22, $0xb8;
	[tilespmem:$0x13E20] =	vst v63  }
0x4e: {  	_ =	swait.ge [sflag:s24], $0x2000  }
0x4f: {  	[sflag:s24] =	ssyncset.done $0x0  }
0x50: {  	s29 =	simm.s32 $0x2710;
	[sflag:s24] =	ssyncadd.s32 $0xFFFFE000  }
0x51: {  	[spmem:s2] =	stream.indirect.scatter.add.f32 [tilespmem:s23], [sflag:$0x2], $0x40, s29, s22, $0xb8;
	[tilespmem:$0x13E20] =	vst v63  }
0x52: {  	s29 =	simm.s32 $0x80  }
0x53: {  	[tilespmem:s26], [sflag:$0x1] =	stream.indirect.gather [hbm4b:s4+s22], $0x40, s29, s22, $0xb8;
	[tilespmem:$0x13E20] =	vst v63  }
0x54: {  	_ =	swait.ge [sflag:s24], $0x2000  }
0x55: {  	[sflag:s24] =	ssyncset.done $0x0  }
0x56: {  	[sflag:s24] =	ssyncadd.s32 $0xFFFFE000  }
0x57: {  	_ =	swait.ge [sflag:s28], $0x2000  }
0x58: {  	[sflag:s28] =	ssyncset.done $0x0  }
0x59: {  	s29 =	simm.s32 $0x2790;
	[sflag:s28] =	ssyncadd.s32 $0xFFFFE000  }
0x5a: {  	[spmem:s2] =	stream.indirect.scatter.add.f32 [tilespmem:s26], [sflag:$0x2], $0x40, s29, s22, $0xb8;
	[tilespmem:$0x13E20] =	vst v63  }
0x5b: {  	s29 =	simm.s32 $0x100  }
0x5c: {  	[tilespmem:s23], [sflag:$0x1] =	stream.indirect.gather [hbm4b:s4+s22], $0x40, s29, s22, $0xb8;
	[tilespmem:$0x13E20] =	vst v63  }
0x5d: {  	_ =	swait.ge [sflag:s24], $0x2000  }
0x5e: {  	[sflag:s24] =	ssyncset.done $0x0  }
0x5f: {  	[sflag:s24] =	ssyncadd.s32 $0xFFFFE000  }
0x60: {  	_ =	swait.ge [sflag:s28], $0x2000  }
0x61: {  	s30 =	simm.s32 $0x800;
	s29 =	simm.s32 $0x100;
	[sflag:s28] =	ssyncset.done $0x0  }
.LBB2_4:
0x62: {  	s31 =	sadd.s32 $0x2710, s29  }
0x63: {  	[sflag:s28] =	ssyncadd.s32 $0xFFFFE000;
	s0 =	smov.u32 s30;
	s21 =	sadd.s32 $0x400, s30  }
0x64: {  	[spmem:s2] =	stream.indirect.scatter.add.f32 [tilespmem:s23], [sflag:$0x2], $0x40, s31, s22, $0xb8;
	[tilespmem:$0x13E20] =	vst v63  }
0x65: {  	p0 =	sne.s32 s30, $0x9400;
	s30 =	sadd.s32 $0x80, s29  }
0x66: {  	[tilespmem:s26], [sflag:$0x1] =	stream.indirect.gather [hbm4b:s4+s22], $0x40, s30, s22, $0xb8;
	[tilespmem:$0x13E20] =	vst v63  }
0x67: {  	_ =	swait.ge [sflag:s24], $0x2000  }
0x68: {  	[sflag:s24] =	ssyncset.done $0x0  }
0x69: {  	[sflag:s24] =	ssyncadd.s32 $0xFFFFE000  }
0x6a: {  	_ =	swait.ge [sflag:s28], $0x2000  }
0x6b: {  	[sflag:s28] =	ssyncset.done $0x0  }
0x6c: {  	s30 =	sadd.s32 $0x2790, s29;
	[sflag:s28] =	ssyncadd.s32 $0xFFFFE000  }
0x6d: {  	[spmem:s2] =	stream.indirect.scatter.add.f32 [tilespmem:s26], [sflag:$0x2], $0x40, s30, s22, $0xb8;
	[tilespmem:$0x13E20] =	vst v63  }
0x6e: {  	s29 =	sadd.s32 $0x100, s29  }
0x6f: {  	[tilespmem:s23], [sflag:$0x1] =	stream.indirect.gather [hbm4b:s4+s22], $0x40, s29, s22, $0xb8;
	[tilespmem:$0x13E20] =	vst v63  }
.Ltmp1:
0x70: {  	_ =	swait.ge [sflag:s24], $0x2000;
	(pc) =	sbr.rel @p0 .LBB2_4-.Ltmp1, $4  }
0x71: {  	[sflag:s24] =	ssyncset.done $0x0  }
0x72: {  	[sflag:s24] =	ssyncadd.s32 $0xFFFFE000  }
0x73: {  	_ =	swait.ge [sflag:s28], $0x2000  }
0x74: {  	s30 =	smov.u32 s21;
	s29 =	sshra.s32 s0, $0x2;
	[sflag:s28] =	ssyncset.done $0x0  }
0x75: {  	s0 =	sadd.s32 $0x2710, s29;
	[sflag:s28] =	ssyncadd.s32 $0xFFFFE000  }
0x76: {  	[spmem:s2] =	stream.indirect.scatter.add.f32 [tilespmem:s23], [sflag:$0x2], $0x40, s0, s22, $0xb8;
	[tilespmem:$0x13E20] =	vst v63  }
0x77: {  	s31 =	sadd.s32 $0x80, s29  }
0x78: {  	[tilespmem:s26], [sflag:$0x1] =	stream.indirect.gather [hbm4b:s4+s22], $0x40, s31, s22, $0xb8;
	[tilespmem:$0x13E20] =	vst v63  }
0x79: {  	_ =	swait.ge [sflag:s24], $0x2000  }
0x7a: {  	[sflag:s24] =	ssyncset.done $0x0  }
0x7b: {  	[sflag:s24] =	ssyncadd.s32 $0xFFFFE000  }
0x7c: {  	_ =	swait.ge [sflag:s28], $0x2000  }
0x7d: {  	[sflag:s28] =	ssyncset.done $0x0  }
0x7e: {  	s21 =	sadd.s32 $0x2790, s29;
	[sflag:s28] =	ssyncadd.s32 $0xFFFFE000  }
0x7f: {  	[spmem:s2] =	stream.indirect.scatter.add.f32 [tilespmem:s26], [sflag:$0x2], $0x40, s21, s22, $0xb8;
	[tilespmem:$0x13E20] =	vst v63  }
0x80: {  	s29 =	sadd.s32 $0x100, s29  }
0x81: {  	[tilespmem:s23], [sflag:$0x1] =	stream.indirect.gather [hbm4b:s4+s22], $0x40, s29, s22, $0xb8;
	[tilespmem:$0x13E20] =	vst v63  }
0x82: {  	_ =	swait.ge [sflag:s24], $0x2000  }
0x83: {  	[sflag:s24] =	ssyncset.done $0x0  }
0x84: {  	[sflag:s24] =	ssyncadd.s32 $0xFFFFE000  }
0x85: {  	_ =	swait.ge [sflag:s28], $0x2000  }
0x86: {  	[sflag:s28] =	ssyncset.done $0x0  }
0x87: {  	s30 =	simm.s32 $0x4D10;
	[sflag:s28] =	ssyncadd.s32 $0xFFFFE000  }
0x88: {  	[spmem:s2] =	stream.indirect.scatter.add.f32 [tilespmem:s23], [sflag:$0x2], $0x40, s30, s22, $0xb8;
	[tilespmem:$0x13E20] =	vst v63  }
0x89: {  	s31 =	simm.s32 $0x2680  }
0x8a: {  	[tilespmem:s26], [sflag:$0x1] =	stream.indirect.gather [hbm4b:s4+s22], $0x40, s31, s22, $0xb8;
	[tilespmem:$0x13E20] =	vst v63  }
0x8b: {  	_ =	swait.ge [sflag:s24], $0x2000  }
0x8c: {  	[sflag:s24] =	ssyncset.done $0x0  }
0x8d: {  	[sflag:s24] =	ssyncadd.s32 $0xFFFFE000  }
0x8e: {  	_ =	swait.ge [sflag:s28], $0x2000  }
0x8f: {  	[sflag:s28] =	ssyncset.done $0x0  }
0x90: {  	s21 =	simm.s32 $0x4D90;
	[sflag:s28] =	ssyncadd.s32 $0xFFFFE000  }
0x91: {  	[spmem:s2] =	stream.indirect.scatter.add.f32 [tilespmem:s26], [sflag:$0x2], $0x40, s21, s22, $0xb8;
	[tilespmem:$0x13E20] =	vst v63  }
0x92: {  	s29 =	simm.s32 $0x2700  }
0x93: {  	[tilespmem:s23], [sflag:$0x1] =	stream.indirect.gather [hbm4b:s4+s1], $0x40, s29, s1, $0xb8;
	[tilespmem:$0x13E20] =	vst v63  }
0x94: {  	_ =	swait.ge [sflag:s24], $0x400  }
0x95: {  	[sflag:s24] =	ssyncset.done $0x0  }
0x96: {  	[sflag:s24] =	ssyncadd.s32 $0xFFFFFC00  }
0x97: {  	_ =	swait.ge [sflag:s28], $0x2000  }
0x98: {  	[sflag:s28] =	ssyncset.done $0x0  }
0x99: {  	s30 =	simm.s32 $0x4E10;
	[sflag:s28] =	ssyncadd.s32 $0xFFFFE000  }
0x9a: {  	[spmem:s2] =	stream.indirect.scatter.add.f32 [tilespmem:s23], [sflag:$0x3], $0x40, s30, s1, $0xb8;
	[tilespmem:$0x13E20] =	vst v63  }
0x9b: {  	_ =	swait.ge [sflag:s20], $0x400  }
0x9c: {  	s3 =	sadd.s32 $0x1, s3;
	s31 =	stileid.u32;
	[sflag:s20] =	ssyncset.done $0x0  }
0x9d: {  	p0 =	sne.s32 s3, s9;
	s0 =	sshll.u32 s31, $0x6;
	[sflag:s20] =	ssyncadd.s32 $0xFFFFFC00  }
.Ltmp2:
0x9e: {  	s0 =	sor.u32 $0x1C03, s0;
	[bflag:$0x0] =	sbarrier.arrive $0xFFFF;
	(pc) =	sbr.rel @p0 .LBB2_1-.Ltmp2, $4  }
0x9f: {  	[hbm:s8], [sflag:s0] =	dma.local [spmem:s25], $0x1400  }
0xa0: {  	_ =	swait.ge [sflag:s20], $0x1400  }
0xa1: {  	[sflag:s20] =	ssyncset.done $0x0  }
0xa2: {  	[sflag:s20] =	ssyncadd.s32 $0xFFFFEC00  }
0xa3: {  	_ =	sfence.sel $0x180000  }
0xa4: {  	[bflag:$0x0] =	sbarrier.arrive $0xFFFF  }
0xa5: {  	_ =	strace $0x9000004A  }
0xa6: {  	s0 =	stileid.u32;
	[bflag:$0x2] =	sbarrier.arrive $0xFFFF  }
0xa7: {  	p0 =	sne.s32 s0, $0x0;
	s0 =	rddreg [dreg:$0x2]  }
0xa8: {  	s0 =	sadd.s32 @!p0 $0x100000, s0  }
0xa9: {  	[sflag:s0] =	ssyncadd.tile.s32 @!p0 $0x1;
	_ =	shalt  }
.Lfunc_end2:
_tile_overlayer_lowered:
.L_overlay_start_2:
0xaa: {  	(tag) =	ssettag $0x2  }
0xab: {  	s0 =	rddreg [dreg:$0x0];
	s2 =	stileid.u32  }
0xac: {  	s1 =	rddreg [dreg:$0x1];
	p0 =	sne.s32 s2, $0x0  }
0xad: {  	s3 =	rddreg [dreg:$0x2];
	[bflag:$0x3] =	sbarrier.arrive $0xFFFF;
	s2 =	simm.s32 @!p0 $0x1C03  }
0xae: {  	[timem:s3], [sflag:s2] =	dma.local @!p0 [hbm:s0], s1  }
0xaf: {  	s0 =	simm.s32 @!p0 $0x3  }
0xb0: {  	_ =	swait.ge @!p0 [sflag:s0], s1  }
0xb1: {  	s1 =	ssub.s32 @!p0 $0x0, s1;
	[sflag:s0] =	ssyncset.done @!p0 $0x0  }
0xb2: {  	[sflag:s0] =	ssyncadd.s32 @!p0 s1  }
0xb3: {  	[bflag:$0x3] =	sbarrier.arrive $0xFFFF  }
0xb4: {  	_ =	shalt  }

// kernel: kernel.15.cloned.1.call-start
scs
__scs_entry_jumppad:
0x0: {  	(pc) =	sbr.rel $0x88, $3  }
0x1: {  	(tag) =	ssettag $0x0;
	lr =	simm.s32 $0x1  }
0x2: {  	[smem:$0x3F99] =	sst lr;
	_ =	strace $0xD0000000  }
0x3: {  	_ = 	snop  }
0x4: {  	_ = 	snop  }
0x5: {  	_ = 	snop  }
0x6: {  	_ = 	snop  }
0x7: {  	_ = 	snop  }
__scs_overlays_trampoline_lowered:
0x8: {  	[smem:$0x3FA8] =	sst s0  }
0x9: {  	[smem:$0x3FA9] =	sst s1  }
0xa: {  	[smem:$0x3FAA] =	sst s2  }
0xb: {  	[smem:$0x3FAB] =	sst s3  }
0xc: {  	[smem:$0x3FAC] =	sst s4  }
0xd: {  	[smem:$0x3FAD] =	sst s5  }
0xe: {  	[smem:$0x3FAE] =	sst s6  }
0xf: {  	[smem:$0x3FAF] =	sst s7  }
0x10: {  	[smem:$0x3FB0] =	sst s8  }
0x11: {  	[smem:$0x3FB1] =	sst s9;
	s0 =	simm.s32 @!p0 $0x0  }
0x12: {  	s1 =	sld [smem:$0x3F97];
	s0 =	simm.s32 @p0 $0x1  }
0x13: {  	[smem:$0x3FB2] =	sst s0;
	s0 =	simm.s32 @!p1 $0x0  }
0x14: {  	s2 =	sld [smem:$0x3F96];
	s0 =	simm.s32 @p1 $0x1  }
0x15: {  	[smem:$0x3FB3] =	sst s0;
	s0 =	simm.s32 @!p2 $0x0  }
0x16: {  	s3 =	sld [smem:$0x3FDB];
	s0 =	simm.s32 @p2 $0x1  }
0x17: {  	s4 =	simm.s32 $0x1BF5;
	[smem:$0x3FB5] =	sst s0  }
0x18: {  	s0 =	sld [smem:$0x3F98];
	_ =	swait.ge [sflag:s4], $0x0  }
0x19: {  	s7 =	sld [smem:$0x3F99]  }
0x1a: {  	s8 =	sadd.s32 $0xFFFFE003, lr  }
0x1b: {  	s9 =	sadd.s32 $0xFFFFFEF7, lr;
	s5 =	simm.s32 $0xFFFFFFFF;
	p2 =	slt.u32 s8, $0xFFFFF086  }
0x1c: {  	p1 =	slt.u32 s9, $0xF7A;
	s5 =	simm.s32 @!p2 $0x0  }
0x1d: {  	s5 =	simm.s32 @p1 $0x1;
	p0 =	seq.s32 s7, s2  }
0x1e: {  	s7 =	smul.u32 @!p0 $0xF7A, s2;
	p2 =	seq.s32 @!p0 s5, $0x0  }
0x1f: {  	s9 =	smul.u32 $0xF7A, s1;
	s8 =	simm.s32 @!p0 $0x1BF5;
	p2 =	por !p2, p0  }
0x20: {  	[sflag:s8] =	ssyncset.s32 @!p0 $0xFFFFF086;
	s6 =	sadd.s32 @!p0 s3, s7;
	s7 =	simm.s32 @!p0 $0x108  }
0x21: {  	s3 =	sadd.s32 s3, s9;
	s6 =	sadd.s32 @!p0 $0x88, s6;
	s7 =	simm.s32 @p2 $0x1082  }
0x22: {  	[simem:s7], [sflag:s8] =	dma.local @!p0 [hbm:s6], $0xF7A  }
0x23: {  	s9 =	sor.u32 $0xD0000000, s2;
	s6 =	simm.s32 $0x108;
	_ =	swait.ge @!p0 [sflag:s8], $0x0  }
0x24: {  	s3 =	sadd.s32 $0x88, s3;
	s6 =	simm.s32 @!p1 $0x1082;
	[sflag:s4] =	ssyncset.s32 $0xFFFFF086  }
0x25: {  	[simem:s6], [sflag:s4] =	dma.local [hbm:s3], $0xF7A  }
0x26: {  	[smem:$0x3F99] =	sst s1;
	(tag) =	ssettag s2;
	_ =	strace s9  }
0x27: {  	s1 =	sld [smem:$0x3FA9]  }
0x28: {  	s2 =	sld [smem:$0x3FAA]  }
0x29: {  	s4 =	sld [smem:$0x3FAC]  }
0x2a: {  	p0 =	seq.s32 s5, $0x0;
	s5 =	sld [smem:$0x3FAD]  }
0x2b: {  	s6 =	sld [smem:$0x3FAE]  }
0x2c: {  	s7 =	sld [smem:$0x3FAF]  }
0x2d: {  	s3 =	simm.s32 $0x108;
	s8 =	sld [smem:$0x3FB0]  }
0x2e: {  	s3 =	simm.s32 @!p0 $0x1082;
	s9 =	sld [smem:$0x3FB1]  }
0x2f: {  	lr =	sadd.s32 s0, s3;
	s0 =	sld [smem:$0x3FA8]  }
0x30: {  	s3 =	sld [smem:$0x3FAB]  }
0x31: {  	[smem:$0x3FB4] =	sst s10  }
0x32: {  	s10 =	sld [smem:$0x3FB2];
	_ =	sdelay $0x3  }
0x33: {  	p0 =	seq.s32 s10, $0x1;
	s10 =	sld [smem:$0x3FB4];
	_ =	sdelay $0x3  }
0x34: {  	[smem:$0x3FB4] =	sst s10  }
0x35: {  	s10 =	sld [smem:$0x3FB3];
	_ =	sdelay $0x3  }
0x36: {  	p1 =	seq.s32 s10, $0x1;
	s10 =	sld [smem:$0x3FB4];
	_ =	sdelay $0x3  }
0x37: {  	[smem:$0x3FB4] =	sst s10  }
0x38: {  	s10 =	sld [smem:$0x3FB5]  }
0x39: {  	_ = 	snop;
	(pc) =	sbr.ind lr, $3  }
0x3a: {  	_ = 	snop  }
0x3b: {  	_ = 	snop  }
0x3c: {  	p2 =	seq.s32 s10, $0x1;
	s10 =	sld [smem:$0x3FB4]  }
0x3d: {  	_ =	shalt  }
0x3e: {  	_ =	shalt  }
0x3f: {  	_ =	shalt  }
0x40: {  	_ =	shalt  }
0x41: {  	_ =	shalt  }
0x42: {  	_ =	shalt  }
0x43: {  	_ =	shalt  }
0x44: {  	_ =	shalt  }
0x45: {  	_ =	shalt  }
0x46: {  	_ =	shalt  }
0x47: {  	_ =	shalt  }
0x48: {  	_ =	shalt  }
0x49: {  	_ =	shalt  }
0x4a: {  	_ =	shalt  }
0x4b: {  	_ =	shalt  }
0x4c: {  	_ =	shalt  }
0x4d: {  	_ =	shalt  }
0x4e: {  	_ =	shalt  }
0x4f: {  	_ =	shalt  }
0x50: {  	_ =	shalt  }
0x51: {  	_ =	shalt  }
0x52: {  	_ =	shalt  }
0x53: {  	_ =	shalt  }
0x54: {  	_ =	shalt  }
0x55: {  	_ =	shalt  }
0x56: {  	_ =	shalt  }
0x57: {  	_ =	shalt  }
0x58: {  	_ =	shalt  }
0x59: {  	_ =	shalt  }
0x5a: {  	_ =	shalt  }
0x5b: {  	_ =	shalt  }
0x5c: {  	_ =	shalt  }
0x5d: {  	_ =	shalt  }
0x5e: {  	_ =	shalt  }
0x5f: {  	_ =	shalt  }
0x60: {  	_ =	shalt  }
0x61: {  	_ =	shalt  }
0x62: {  	_ =	shalt  }
0x63: {  	_ =	shalt  }
0x64: {  	_ =	shalt  }
0x65: {  	_ =	shalt  }
0x66: {  	_ =	shalt  }
0x67: {  	_ =	shalt  }
0x68: {  	_ =	shalt  }
0x69: {  	_ =	shalt  }
0x6a: {  	_ =	shalt  }
0x6b: {  	_ =	shalt  }
0x6c: {  	_ =	shalt  }
0x6d: {  	_ =	shalt  }
0x6e: {  	_ =	shalt  }
0x6f: {  	_ =	shalt  }
0x70: {  	_ =	shalt  }
0x71: {  	_ =	shalt  }
0x72: {  	_ =	shalt  }
0x73: {  	_ =	shalt  }
0x74: {  	_ =	shalt  }
0x75: {  	_ =	shalt  }
0x76: {  	_ =	shalt  }
0x77: {  	_ =	shalt  }
0x78: {  	_ =	shalt  }
0x79: {  	_ =	shalt  }
0x7a: {  	_ =	shalt  }
0x7b: {  	_ =	shalt  }
0x7c: {  	_ =	shalt  }
0x7d: {  	_ =	shalt  }
0x7e: {  	_ =	shalt  }
0x7f: {  	_ =	shalt  }
0x80: {  	_ =	shalt  }
0x81: {  	_ =	shalt  }
0x82: {  	_ =	shalt  }
0x83: {  	_ =	shalt  }
0x84: {  	_ =	shalt  }
0x85: {  	_ =	shalt  }
0x86: {  	_ =	shalt  }
0x87: {  	_ =	shalt  }
.Lfunc_end0:
.L_simem_size_0:
called_computation.2_lowered:
.L_overlay_start_0:
0x88: {  	s2 =	sld [smem:$0x3FD9]  }
0x89: {  	s3 =	sld [smem:$0x3FFE];
	_ =	sdelay $0x1  }
0x8a: {  	s1 =	srdreg.scid  }
0x8b: {  	s0 =	sand.u32 $0x1, s1  }
0x8c: {  	s16 =	sshll.u32 s0, $0xA;
	s2 =	sadd.s32 s3, s2  }
0x8d: {  	s2 =	sadd.s32 s2, s16  }
0x8e: {  	[smem:$0x3FC0] =	sst s2  }
0x8f: {  	_ = 	snop  }
0x90: {  	(tm) =	ssettm $0x1  }
0x91: {  	s17 =	sld [smem:$0x3FFB];
	_ =	sdelay $0x3  }
0x92: {  	_ =	strace s17  }
0x93: {  	s2 =	sld [smem:$0x3FFC];
	_ =	sdelay $0x3  }
0x94: {  	_ =	strace s2  }
0x95: {  	s2 =	sld [smem:$0x3FFD];
	_ =	sdelay $0x3  }
0x96: {  	_ =	strace s2  }
0x97: {  	_ =	strace $0x8FFFFFFF  }
0x98: {  	s18 =	sld [smem:$0x3FDB];
	_ =	sdelay $0x1  }
0x99: {  	s19 =	simm.s32 $_scs_section_size  }
0x9a: {  	s4 =	simm.s32 $_size__tile_overlayer_lowered;
	s5 =	simm.s32 $_tile_overlayer_lowered  }
0x9b: {  	s22 =	simm.s32 $0x1BFF;
	s21 =	sshll.u32 s5, $0x1;
	s2 =	sadd.s32 s19, s18  }
0x9c: {  	s6 =	simm.s32 $0x0;
	s20 =	sshll.u32 s4, $0x1;
	s4 =	sadd.s32 s21, s2  }
0x9d: {  	[timem:s6], [sflag:s22] =	dma.local [hbm:s4], s20  }
0x9e: {  	_ =	swait.ge [sflag:s22], s20  }
0x9f: {  	s3 =	ssub.s32 $0x0, s20;
	[sflag:s22] =	ssyncset.done $0x0  }
0xa0: {  	[sflag:s22] =	ssyncadd.s32 s3;
	_ =	sdelay $0x1  }
0xa1: {  	s23 =	simm.s32 $0x1B8B  }
0xa2: {  	_ =	swait.ge [sflag:s23], $0x1  }
0xa3: {  	[sflag:s23] =	ssyncset.done $0x0  }
0xa4: {  	s25 =	simm.s32 $0x1B8E;
	s24 =	sld [smem:$0x3FFE];
	[sflag:s23] =	ssyncadd.s32 $0xFFFFFFFF  }
0xa5: {  	s26 =	simm.s32 $execute0_lowered;
	[smem:$0x3FD2] =	sst s25  }
0xa6: {  	s4 =	sshll.u32 s26, $0x1;
	_ =	strace $0x8000004C;
	[dreg:$0x1] =	wrdreg $0xFFFFFFFF  }
0xa7: {  	s28 =	simm.s32 $_size_execute0_lowered;
	s2 =	sadd.s32 s2, s4;
	[dreg:$0x0] =	wrdreg $0x0  }
0xa8: {  	s4 =	sshll.u32 s28, $0x1;
	[dreg:$0x2] =	wrdreg s2  }
0xa9: {  	[dreg:$0x3] =	wrdreg s4  }
0xaa: {  	[dreg:$0x4] =	wrdreg $0xC0  }
0xab: {  	_ =	task [dreg:s6], $0x5FFFF  }
0xac: {  	[dreg:$0x1] =	wrdreg $0xFFFFFFFF  }
0xad: {  	[dreg:$0x0] =	wrdreg $0x60  }
0xae: {  	[dreg:$0x2] =	wrdreg s24  }
0xaf: {  	[dreg:$0x3] =	wrdreg $0x9E200  }
0xb0: {  	[dreg:$0x4] =	wrdreg $0x9  }
0xb1: {  	_ =	task.clear_ibuf [dreg:s6], $0x5FFFF;
	_ =	strace $0x9000004C  }
0xb2: {  	s29 =	simm.s32 $0x9;
	_ =	strace $0x8000004E  }
0xb3: {  	_ =	swait.ge [sflag:s29], $0x1  }
0xb4: {  	[sflag:s29] =	ssyncadd.s32 $0xFFFFFFFF  }
0xb5: {  	_ =	strace $0x9000004E  }
0xb6: {  	_ =	sfence  }
0xb7: {  	s30 =	sld [smem:$0x0];
	_ =	sdelay $0x2  }
0xb8: {  	s31 =	sshll.u32 s1, $0xD;
	s1 =	sshrl.u32 s1, $0x2  }
0xb9: {  	s3 =	sand.u32 $0x4000, s31;
	s1 =	sadd.s32 s1, s30  }
0xba: {  	s0 =	sor.u32 s3, s0;
	s1 =	sshll.u32 s1, $0x11  }
0xbb: {  	s0 =	sor.u32 s1, s0  }
0xbc: {  	s0 =	sadd.s32 $0x8F2B, s0  }
0xbd: {  	[sflag:s0] =	ssyncadd.remote.s32 $0x1  }
0xbe: {  	_ =	sfence.sel $0xFFFF  }
0xbf: {  	[dreg:$0x0] =	wrdreg $0xFFFFFFFF;
	(pc) =	sbr.abs _section_cstart, $3  }
0xc0: {  	[dreg:$0x1] =	wrdreg $0xFFFFFFFF  }
0xc1: {  	_ =	task.clear_ibuf [dreg:s6], $0x2FFFF;
	_ =	strace $0x9FFFFFFF  }
0xc2: {  	(tm) =	ssettm $0x7FFFFFFF  }
0xc3: {  	_ =	shalt  }
tec
execute0_lowered:
.L_overlay_start_1:
0x0: {  	(tag) =	ssettag $0x1  }
0x1: {  	s0 =	srdreg.scid  }
0x2: {  	s7 =	stileid.u32;
	s5 =	rddreg [dreg:$0x0]  }
0x3: {  	s2 =	rddreg [dreg:$0x1];
	s3 =	simm.s32 $0x0;
	s19 =	simm.s32 $0x8E20  }
0x4: {  	s20 =	simm.s32 $0x3;
	s22 =	simm.s32 $0x80;
	s23 =	simm.s32 $0x4E20  }
0x5: {  	s24 =	simm.s32 $0x1;
	s26 =	simm.s32 $0x6E20;
	s28 =	simm.s32 $0x2  }
0x6: {  	s0 =	sand.u32 $0x1, s0;
	[smem:$0x7FF] =	sst s3;
	s9 =	smul.u32 $0xA000, s7  }
0x7: {  	s4 =	sadd.s32 $0x15800, s5;
	s1 =	sshll.u32 s0, $0x4;
	s6 =	smul.u32 $0xA0000, s0  }
0x8: {  	_ =	strace $0x8000004D;
	s0 =	ssub.s32 $0x2, s0;
	s1 =	sor.u32 s7, s1  }
0x9: {  	s7 =	smul.u32 $0x28000, s7;
	s8 =	sshrl.u32 s0, $0x1;
	s31 =	sadd.s32 s9, s2  }
0xa: {  	s1 =	smul.u32 $0x2710, s1;
	s6 =	sadd.s32 s9, s6;
	s0 =	ssub.s32 s0, s8  }
0xb: {  	s25 =	sshrl.u32 s31, $0x3;
	s6 =	sshrl.u32 s6, $0x3;
	s30 =	sshrl.u32 s7, $0x2  }
0xc: {  	s9 =	smax.u32 s0, $0x1;
	s1 =	sshrl.u32 s1, $0x3;
	s10 =	sadd.s32 s6, s5  }
0xd: {  	s1 =	sadd.s32 s1, s5;
	s5 =	sadd.s32 s30, s2;
	s8 =	sadd.s32 $0x29200, s10  }
0xe: {  	s6 =	sadd.s32 $0x1E00, s1;
	s7 =	sadd.s32 $0xBA40, s1;
	s10 =	sadd.s32 $0x1000, s5  }
0xf: {  	s11 =	sadd.s32 $0x2000, s5;
	s12 =	sadd.s32 $0x3000, s5;
	s13 =	sadd.s32 $0x4000, s5  }
0x10: {  	s14 =	sadd.s32 $0x5000, s5;
	s15 =	sadd.s32 $0x6000, s5;
	s16 =	sadd.s32 $0x7000, s5  }
0x11: {  	v0 =	vimm.f32 $0.0e+00;
	s17 =	sadd.s32 $0x8000, s5;
	s18 =	sadd.s32 $0x9000, s5;
	s1 =	simm.s32 $0x10  }
.LBB2_1:
0x12: {  	s30 =	simm.s32 $0x100;
	s29 =	simm.s32 $0x0  }
.LBB2_2:
0x13: {  	p0 =	sne.s32 s30, $0x3F00;
	[tilespmem:s29+$0x8E50] =	vst v0;
	s31 =	smov.u32 s30;
	s30 =	sadd.s32 $0x100, s30  }
.Ltmp0:
0x14: {  	[tilespmem:s29+$0x8E40] =	vst v0;
	(pc) =	sbr.rel @p0 .LBB2_2-.Ltmp0, $3  }
0x15: {  	[tilespmem:s29+$0x8E20] =	vst v0  }
0x16: {  	[tilespmem:s29+$0x8E30] =	vst v0;
	_ =	sdelay $0x1  }
0x17: {  	s29 =	sshra.s32 s31, $0x2  }
0x18: {  	[tilespmem:s29+$0x8E50] =	vst v0  }
0x19: {  	[tilespmem:s29+$0x8E40] =	vst v0  }
0x1a: {  	[tilespmem:s29+$0x8E20] =	vst v0  }
0x1b: {  	[tilespmem:s29+$0x8E30] =	vst v0  }
0x1c: {  	[spmem:s5] =	stream.linear.scatter [tilespmem:s19], [sflag:$0x3], $0x1000, $0x38;
	[tilespmem:$0x13E20] =	vst v63  }
0x1d: {  	_ =	swait.ge [sflag:s20], $0x1000  }
0x1e: {  	[sflag:s20] =	ssyncset.done $0x0  }
0x1f: {  	[sflag:s20] =	ssyncadd.s32 $0xFFFFF000  }
0x20: {  	[spmem:s10] =	stream.linear.scatter [tilespmem:s19], [sflag:$0x3], $0x1000, $0x38;
	[tilespmem:$0x13E20] =	vst v63  }
0x21: {  	_ =	swait.ge [sflag:s20], $0x1000  }
0x22: {  	[sflag:s20] =	ssyncset.done $0x0  }
0x23: {  	[sflag:s20] =	ssyncadd.s32 $0xFFFFF000  }
0x24: {  	[spmem:s11] =	stream.linear.scatter [tilespmem:s19], [sflag:$0x3], $0x1000, $0x38;
	[tilespmem:$0x13E20] =	vst v63  }
0x25: {  	_ =	swait.ge [sflag:s20], $0x1000  }
0x26: {  	[sflag:s20] =	ssyncset.done $0x0  }
0x27: {  	[sflag:s20] =	ssyncadd.s32 $0xFFFFF000  }
0x28: {  	[spmem:s12] =	stream.linear.scatter [tilespmem:s19], [sflag:$0x3], $0x1000, $0x38;
	[tilespmem:$0x13E20] =	vst v63  }
0x29: {  	_ =	swait.ge [sflag:s20], $0x1000  }
0x2a: {  	[sflag:s20] =	ssyncset.done $0x0  }
0x2b: {  	[sflag:s20] =	ssyncadd.s32 $0xFFFFF000  }
0x2c: {  	[spmem:s13] =	stream.linear.scatter [tilespmem:s19], [sflag:$0x3], $0x1000, $0x38;
	[tilespmem:$0x13E20] =	vst v63  }
0x2d: {  	_ =	swait.ge [sflag:s20], $0x1000  }
0x2e: {  	[sflag:s20] =	ssyncset.done $0x0  }
0x2f: {  	[sflag:s20] =	ssyncadd.s32 $0xFFFFF000  }
0x30: {  	[spmem:s14] =	stream.linear.scatter [tilespmem:s19], [sflag:$0x3], $0x1000, $0x38;
	[tilespmem:$0x13E20] =	vst v63  }
0x31: {  	_ =	swait.ge [sflag:s20], $0x1000  }
0x32: {  	[sflag:s20] =	ssyncset.done $0x0  }
0x33: {  	[sflag:s20] =	ssyncadd.s32 $0xFFFFF000  }
0x34: {  	[spmem:s15] =	stream.linear.scatter [tilespmem:s19], [sflag:$0x3], $0x1000, $0x38;
	[tilespmem:$0x13E20] =	vst v63  }
0x35: {  	_ =	swait.ge [sflag:s20], $0x1000  }
0x36: {  	[sflag:s20] =	ssyncset.done $0x0  }
0x37: {  	[sflag:s20] =	ssyncadd.s32 $0xFFFFF000  }
0x38: {  	[spmem:s16] =	stream.linear.scatter [tilespmem:s19], [sflag:$0x3], $0x1000, $0x38;
	[tilespmem:$0x13E20] =	vst v63  }
0x39: {  	_ =	swait.ge [sflag:s20], $0x1000  }
0x3a: {  	[sflag:s20] =	ssyncset.done $0x0  }
0x3b: {  	[sflag:s20] =	ssyncadd.s32 $0xFFFFF000  }
0x3c: {  	[spmem:s17] =	stream.linear.scatter [tilespmem:s19], [sflag:$0x3], $0x1000, $0x38;
	[tilespmem:$0x13E20] =	vst v63  }
0x3d: {  	_ =	swait.ge [sflag:s20], $0x1000  }
0x3e: {  	[sflag:s20] =	ssyncset.done $0x0  }
0x3f: {  	[sflag:s20] =	ssyncadd.s32 $0xFFFFF000  }
0x40: {  	[spmem:s18] =	stream.linear.scatter [tilespmem:s19], [sflag:$0x3], $0x1000, $0x38;
	[tilespmem:$0x13E20] =	vst v63  }
0x41: {  	_ =	swait.ge [sflag:s20], $0x1000  }
0x42: {  	[sflag:s20] =	ssyncset.done $0x0  }
0x43: {  	[sflag:s20] =	ssyncadd.s32 $0xFFFFF000  }
0x44: {  	s29 =	simm.s32 $0x0;
	[bflag:$0x0] =	sbarrier.arrive $0xFFFF  }
0x45: {  	[tilespmem:s29], [sflag:$0x3] =	stream.linear.gather [hbm4b:s6+s29], $0x2710, $0x38;
	[tilespmem:$0x13E20] =	vst v63  }
0x46: {  	_ =	swait.ge [sflag:s20], $0x2710  }
0x47: {  	[sflag:s20] =	ssyncset.done $0x0  }
0x48: {  	s0 =	simm.s32 $0x2710;
	[sflag:s20] =	ssyncadd.s32 $0xFFFFD8F0  }
0x49: {  	[tilespmem:s0], [sflag:$0x3] =	stream.linear.gather [hbm4b:s7+s29], $0x2710, $0x38;
	[tilespmem:$0x13E20] =	vst v63  }
0x4a: {  	_ =	swait.ge [sflag:s20], $0x2710  }
0x4b: {  	[sflag:s20] =	ssyncset.done $0x0  }
0x4c: {  	[sflag:s20] =	ssyncadd.s32 $0xFFFFD8F0  }
0x4d: {  	[tilespmem:s23], [sflag:$0x1] =	stream.indirect.gather [hbm4b:s4+s22], $0x40, s29, s22, $0xb8;
	[tilespmem:$0x13E20] =	vst v63  }
0x4e: {  	_ =	swait.ge [sflag:s24], $0x2000  }
0x4f: {  	[sflag:s24] =	ssyncset.done $0x0  }
0x50: {  	s29 =	simm.s32 $0x2710;
	[sflag:s24] =	ssyncadd.s32 $0xFFFFE000  }
0x51: {  	[spmem:s2] =	stream.indirect.scatter.add.f32 [tilespmem:s23], [sflag:$0x2], $0x40, s29, s22, $0xb8;
	[tilespmem:$0x13E20] =	vst v63  }
0x52: {  	s29 =	simm.s32 $0x80  }
0x53: {  	[tilespmem:s26], [sflag:$0x1] =	stream.indirect.gather [hbm4b:s4+s22], $0x40, s29, s22, $0xb8;
	[tilespmem:$0x13E20] =	vst v63  }
0x54: {  	_ =	swait.ge [sflag:s24], $0x2000  }
0x55: {  	[sflag:s24] =	ssyncset.done $0x0  }
0x56: {  	[sflag:s24] =	ssyncadd.s32 $0xFFFFE000  }
0x57: {  	_ =	swait.ge [sflag:s28], $0x2000  }
0x58: {  	[sflag:s28] =	ssyncset.done $0x0  }
0x59: {  	s29 =	simm.s32 $0x2790;
	[sflag:s28] =	ssyncadd.s32 $0xFFFFE000  }
0x5a: {  	[spmem:s2] =	stream.indirect.scatter.add.f32 [tilespmem:s26], [sflag:$0x2], $0x40, s29, s22, $0xb8;
	[tilespmem:$0x13E20] =	vst v63  }
0x5b: {  	s29 =	simm.s32 $0x100  }
0x5c: {  	[tilespmem:s23], [sflag:$0x1] =	stream.indirect.gather [hbm4b:s4+s22], $0x40, s29, s22, $0xb8;
	[tilespmem:$0x13E20] =	vst v63  }
0x5d: {  	_ =	swait.ge [sflag:s24], $0x2000  }
0x5e: {  	[sflag:s24] =	ssyncset.done $0x0  }
0x5f: {  	[sflag:s24] =	ssyncadd.s32 $0xFFFFE000  }
0x60: {  	_ =	swait.ge [sflag:s28], $0x2000  }
0x61: {  	s30 =	simm.s32 $0x800;
	s29 =	simm.s32 $0x100;
	[sflag:s28] =	ssyncset.done $0x0  }
.LBB2_4:
0x62: {  	s31 =	sadd.s32 $0x2710, s29  }
0x63: {  	[sflag:s28] =	ssyncadd.s32 $0xFFFFE000;
	s0 =	smov.u32 s30;
	s21 =	sadd.s32 $0x400, s30  }
0x64: {  	[spmem:s2] =	stream.indirect.scatter.add.f32 [tilespmem:s23], [sflag:$0x2], $0x40, s31, s22, $0xb8;
	[tilespmem:$0x13E20] =	vst v63  }
0x65: {  	p0 =	sne.s32 s30, $0x9400;
	s30 =	sadd.s32 $0x80, s29  }
0x66: {  	[tilespmem:s26], [sflag:$0x1] =	stream.indirect.gather [hbm4b:s4+s22], $0x40, s30, s22, $0xb8;
	[tilespmem:$0x13E20] =	vst v63  }
0x67: {  	_ =	swait.ge [sflag:s24], $0x2000  }
0x68: {  	[sflag:s24] =	ssyncset.done $0x0  }
0x69: {  	[sflag:s24] =	ssyncadd.s32 $0xFFFFE000  }
0x6a: {  	_ =	swait.ge [sflag:s28], $0x2000  }
0x6b: {  	[sflag:s28] =	ssyncset.done $0x0  }
0x6c: {  	s30 =	sadd.s32 $0x2790, s29;
	[sflag:s28] =	ssyncadd.s32 $0xFFFFE000  }
0x6d: {  	[spmem:s2] =	stream.indirect.scatter.add.f32 [tilespmem:s26], [sflag:$0x2], $0x40, s30, s22, $0xb8;
	[tilespmem:$0x13E20] =	vst v63  }
0x6e: {  	s29 =	sadd.s32 $0x100, s29  }
0x6f: {  	[tilespmem:s23], [sflag:$0x1] =	stream.indirect.gather [hbm4b:s4+s22], $0x40, s29, s22, $0xb8;
	[tilespmem:$0x13E20] =	vst v63  }
.Ltmp1:
0x70: {  	_ =	swait.ge [sflag:s24], $0x2000;
	(pc) =	sbr.rel @p0 .LBB2_4-.Ltmp1, $4  }
0x71: {  	[sflag:s24] =	ssyncset.done $0x0  }
0x72: {  	[sflag:s24] =	ssyncadd.s32 $0xFFFFE000  }
0x73: {  	_ =	swait.ge [sflag:s28], $0x2000  }
0x74: {  	s30 =	smov.u32 s21;
	s29 =	sshra.s32 s0, $0x2;
	[sflag:s28] =	ssyncset.done $0x0  }
0x75: {  	s0 =	sadd.s32 $0x2710, s29;
	[sflag:s28] =	ssyncadd.s32 $0xFFFFE000  }
0x76: {  	[spmem:s2] =	stream.indirect.scatter.add.f32 [tilespmem:s23], [sflag:$0x2], $0x40, s0, s22, $0xb8;
	[tilespmem:$0x13E20] =	vst v63  }
0x77: {  	s31 =	sadd.s32 $0x80, s29  }
0x78: {  	[tilespmem:s26], [sflag:$0x1] =	stream.indirect.gather [hbm4b:s4+s22], $0x40, s31, s22, $0xb8;
	[tilespmem:$0x13E20] =	vst v63  }
0x79: {  	_ =	swait.ge [sflag:s24], $0x2000  }
0x7a: {  	[sflag:s24] =	ssyncset.done $0x0  }
0x7b: {  	[sflag:s24] =	ssyncadd.s32 $0xFFFFE000  }
0x7c: {  	_ =	swait.ge [sflag:s28], $0x2000  }
0x7d: {  	[sflag:s28] =	ssyncset.done $0x0  }
0x7e: {  	s21 =	sadd.s32 $0x2790, s29;
	[sflag:s28] =	ssyncadd.s32 $0xFFFFE000  }
0x7f: {  	[spmem:s2] =	stream.indirect.scatter.add.f32 [tilespmem:s26], [sflag:$0x2], $0x40, s21, s22, $0xb8;
	[tilespmem:$0x13E20] =	vst v63  }
0x80: {  	s29 =	sadd.s32 $0x100, s29  }
0x81: {  	[tilespmem:s23], [sflag:$0x1] =	stream.indirect.gather [hbm4b:s4+s22], $0x40, s29, s22, $0xb8;
	[tilespmem:$0x13E20] =	vst v63  }
0x82: {  	_ =	swait.ge [sflag:s24], $0x2000  }
0x83: {  	[sflag:s24] =	ssyncset.done $0x0  }
0x84: {  	[sflag:s24] =	ssyncadd.s32 $0xFFFFE000  }
0x85: {  	_ =	swait.ge [sflag:s28], $0x2000  }
0x86: {  	[sflag:s28] =	ssyncset.done $0x0  }
0x87: {  	s30 =	simm.s32 $0x4D10;
	[sflag:s28] =	ssyncadd.s32 $0xFFFFE000  }
0x88: {  	[spmem:s2] =	stream.indirect.scatter.add.f32 [tilespmem:s23], [sflag:$0x2], $0x40, s30, s22, $0xb8;
	[tilespmem:$0x13E20] =	vst v63  }
0x89: {  	s31 =	simm.s32 $0x2680  }
0x8a: {  	[tilespmem:s26], [sflag:$0x1] =	stream.indirect.gather [hbm4b:s4+s22], $0x40, s31, s22, $0xb8;
	[tilespmem:$0x13E20] =	vst v63  }
0x8b: {  	_ =	swait.ge [sflag:s24], $0x2000  }
0x8c: {  	[sflag:s24] =	ssyncset.done $0x0  }
0x8d: {  	[sflag:s24] =	ssyncadd.s32 $0xFFFFE000  }
0x8e: {  	_ =	swait.ge [sflag:s28], $0x2000  }
0x8f: {  	[sflag:s28] =	ssyncset.done $0x0  }
0x90: {  	s21 =	simm.s32 $0x4D90;
	[sflag:s28] =	ssyncadd.s32 $0xFFFFE000  }
0x91: {  	[spmem:s2] =	stream.indirect.scatter.add.f32 [tilespmem:s26], [sflag:$0x2], $0x40, s21, s22, $0xb8;
	[tilespmem:$0x13E20] =	vst v63  }
0x92: {  	s29 =	simm.s32 $0x2700  }
0x93: {  	[tilespmem:s23], [sflag:$0x1] =	stream.indirect.gather [hbm4b:s4+s1], $0x40, s29, s1, $0xb8;
	[tilespmem:$0x13E20] =	vst v63  }
0x94: {  	_ =	swait.ge [sflag:s24], $0x400  }
0x95: {  	[sflag:s24] =	ssyncset.done $0x0  }
0x96: {  	[sflag:s24] =	ssyncadd.s32 $0xFFFFFC00  }
0x97: {  	_ =	swait.ge [sflag:s28], $0x2000  }
0x98: {  	[sflag:s28] =	ssyncset.done $0x0  }
0x99: {  	s30 =	simm.s32 $0x4E10;
	[sflag:s28] =	ssyncadd.s32 $0xFFFFE000  }
0x9a: {  	[spmem:s2] =	stream.indirect.scatter.add.f32 [tilespmem:s23], [sflag:$0x3], $0x40, s30, s1, $0xb8;
	[tilespmem:$0x13E20] =	vst v63  }
0x9b: {  	_ =	swait.ge [sflag:s20], $0x400  }
0x9c: {  	s3 =	sadd.s32 $0x1, s3;
	s31 =	stileid.u32;
	[sflag:s20] =	ssyncset.done $0x0  }
0x9d: {  	p0 =	sne.s32 s3, s9;
	s0 =	sshll.u32 s31, $0x6;
	[sflag:s20] =	ssyncadd.s32 $0xFFFFFC00  }
.Ltmp2:
0x9e: {  	s0 =	sor.u32 $0x1C03, s0;
	[bflag:$0x0] =	sbarrier.arrive $0xFFFF;
	(pc) =	sbr.rel @p0 .LBB2_1-.Ltmp2, $4  }
0x9f: {  	[hbm:s8], [sflag:s0] =	dma.local [spmem:s25], $0x1400  }
0xa0: {  	_ =	swait.ge [sflag:s20], $0x1400  }
0xa1: {  	[sflag:s20] =	ssyncset.done $0x0  }
0xa2: {  	[sflag:s20] =	ssyncadd.s32 $0xFFFFEC00  }
0xa3: {  	_ =	sfence.sel $0x180000  }
0xa4: {  	[bflag:$0x0] =	sbarrier.arrive $0xFFFF  }
0xa5: {  	_ =	strace $0x9000004D  }
0xa6: {  	s0 =	stileid.u32;
	[bflag:$0x2] =	sbarrier.arrive $0xFFFF  }
0xa7: {  	p0 =	sne.s32 s0, $0x0;
	s0 =	rddreg [dreg:$0x2]  }
0xa8: {  	s0 =	sadd.s32 @!p0 $0x100000, s0  }
0xa9: {  	[sflag:s0] =	ssyncadd.tile.s32 @!p0 $0x1;
	_ =	shalt  }
.Lfunc_end2:
_tile_overlayer_lowered:
.L_overlay_start_2:
0xaa: {  	(tag) =	ssettag $0x2  }
0xab: {  	s0 =	rddreg [dreg:$0x0];
	s2 =	stileid.u32  }
0xac: {  	s1 =	rddreg [dreg:$0x1];
	p0 =	sne.s32 s2, $0x0  }
0xad: {  	s3 =	rddreg [dreg:$0x2];
	[bflag:$0x3] =	sbarrier.arrive $0xFFFF;
	s2 =	simm.s32 @!p0 $0x1C03  }
0xae: {  	[timem:s3], [sflag:s2] =	dma.local @!p0 [hbm:s0], s1  }
0xaf: {  	s0 =	simm.s32 @!p0 $0x3  }
0xb0: {  	_ =	swait.ge @!p0 [sflag:s0], s1  }
0xb1: {  	s1 =	ssub.s32 @!p0 $0x0, s1;
	[sflag:s0] =	ssyncset.done @!p0 $0x0  }
0xb2: {  	[sflag:s0] =	ssyncadd.s32 @!p0 s1  }
0xb3: {  	[bflag:$0x3] =	sbarrier.arrive $0xFFFF  }
0xb4: {  	_ =	shalt  }

// kernel: kernel.9.cloned.1.call-start
scs
__scs_entry_jumppad:
0x0: {  	(pc) =	sbr.rel $0x88, $3  }
0x1: {  	(tag) =	ssettag $0x0;
	lr =	simm.s32 $0x1  }
0x2: {  	[smem:$0x3F99] =	sst lr;
	_ =	strace $0xD0000000  }
0x3: {  	_ = 	snop  }
0x4: {  	_ = 	snop  }
0x5: {  	_ = 	snop  }
0x6: {  	_ = 	snop  }
0x7: {  	_ = 	snop  }
__scs_overlays_trampoline_lowered:
0x8: {  	[smem:$0x3FA8] =	sst s0  }
0x9: {  	[smem:$0x3FA9] =	sst s1  }
0xa: {  	[smem:$0x3FAA] =	sst s2  }
0xb: {  	[smem:$0x3FAB] =	sst s3  }
0xc: {  	[smem:$0x3FAC] =	sst s4  }
0xd: {  	[smem:$0x3FAD] =	sst s5  }
0xe: {  	[smem:$0x3FAE] =	sst s6  }
0xf: {  	[smem:$0x3FAF] =	sst s7  }
0x10: {  	[smem:$0x3FB0] =	sst s8  }
0x11: {  	[smem:$0x3FB1] =	sst s9;
	s0 =	simm.s32 @!p0 $0x0  }
0x12: {  	s1 =	sld [smem:$0x3F97];
	s0 =	simm.s32 @p0 $0x1  }
0x13: {  	[smem:$0x3FB2] =	sst s0;
	s0 =	simm.s32 @!p1 $0x0  }
0x14: {  	s2 =	sld [smem:$0x3F96];
	s0 =	simm.s32 @p1 $0x1  }
0x15: {  	[smem:$0x3FB3] =	sst s0;
	s0 =	simm.s32 @!p2 $0x0  }
0x16: {  	s3 =	sld [smem:$0x3FDB];
	s0 =	simm.s32 @p2 $0x1  }
0x17: {  	s4 =	simm.s32 $0x1BF5;
	[smem:$0x3FB5] =	sst s0  }
0x18: {  	s0 =	sld [smem:$0x3F98];
	_ =	swait.ge [sflag:s4], $0x0  }
0x19: {  	s7 =	sld [smem:$0x3F99]  }
0x1a: {  	s8 =	sadd.s32 $0xFFFFE003, lr  }
0x1b: {  	s9 =	sadd.s32 $0xFFFFFEF7, lr;
	s5 =	simm.s32 $0xFFFFFFFF;
	p2 =	slt.u32 s8, $0xFFFFF086  }
0x1c: {  	p1 =	slt.u32 s9, $0xF7A;
	s5 =	simm.s32 @!p2 $0x0  }
0x1d: {  	s5 =	simm.s32 @p1 $0x1;
	p0 =	seq.s32 s7, s2  }
0x1e: {  	s7 =	smul.u32 @!p0 $0xF7A, s2;
	p2 =	seq.s32 @!p0 s5, $0x0  }
0x1f: {  	s9 =	smul.u32 $0xF7A, s1;
	s8 =	simm.s32 @!p0 $0x1BF5;
	p2 =	por !p2, p0  }
0x20: {  	[sflag:s8] =	ssyncset.s32 @!p0 $0xFFFFF086;
	s6 =	sadd.s32 @!p0 s3, s7;
	s7 =	simm.s32 @!p0 $0x108  }
0x21: {  	s3 =	sadd.s32 s3, s9;
	s6 =	sadd.s32 @!p0 $0x88, s6;
	s7 =	simm.s32 @p2 $0x1082  }
0x22: {  	[simem:s7], [sflag:s8] =	dma.local @!p0 [hbm:s6], $0xF7A  }
0x23: {  	s9 =	sor.u32 $0xD0000000, s2;
	s6 =	simm.s32 $0x108;
	_ =	swait.ge @!p0 [sflag:s8], $0x0  }
0x24: {  	s3 =	sadd.s32 $0x88, s3;
	s6 =	simm.s32 @!p1 $0x1082;
	[sflag:s4] =	ssyncset.s32 $0xFFFFF086  }
0x25: {  	[simem:s6], [sflag:s4] =	dma.local [hbm:s3], $0xF7A  }
0x26: {  	[smem:$0x3F99] =	sst s1;
	(tag) =	ssettag s2;
	_ =	strace s9  }
0x27: {  	s1 =	sld [smem:$0x3FA9]  }
0x28: {  	s2 =	sld [smem:$0x3FAA]  }
0x29: {  	s4 =	sld [smem:$0x3FAC]  }
0x2a: {  	p0 =	seq.s32 s5, $0x0;
	s5 =	sld [smem:$0x3FAD]  }
0x2b: {  	s6 =	sld [smem:$0x3FAE]  }
0x2c: {  	s7 =	sld [smem:$0x3FAF]  }
0x2d: {  	s3 =	simm.s32 $0x108;
	s8 =	sld [smem:$0x3FB0]  }
0x2e: {  	s3 =	simm.s32 @!p0 $0x1082;
	s9 =	sld [smem:$0x3FB1]  }
0x2f: {  	lr =	sadd.s32 s0, s3;
	s0 =	sld [smem:$0x3FA8]  }
0x30: {  	s3 =	sld [smem:$0x3FAB]  }
0x31: {  	[smem:$0x3FB4] =	sst s10  }
0x32: {  	s10 =	sld [smem:$0x3FB2];
	_ =	sdelay $0x3  }
0x33: {  	p0 =	seq.s32 s10, $0x1;
	s10 =	sld [smem:$0x3FB4];
	_ =	sdelay $0x3  }
0x34: {  	[smem:$0x3FB4] =	sst s10  }
0x35: {  	s10 =	sld [smem:$0x3FB3];
	_ =	sdelay $0x3  }
0x36: {  	p1 =	seq.s32 s10, $0x1;
	s10 =	sld [smem:$0x3FB4];
	_ =	sdelay $0x3  }
0x37: {  	[smem:$0x3FB4] =	sst s10  }
0x38: {  	s10 =	sld [smem:$0x3FB5]  }
0x39: {  	_ = 	snop;
	(pc) =	sbr.ind lr, $3  }
0x3a: {  	_ = 	snop  }
0x3b: {  	_ = 	snop  }
0x3c: {  	p2 =	seq.s32 s10, $0x1;
	s10 =	sld [smem:$0x3FB4]  }
0x3d: {  	_ =	shalt  }
0x3e: {  	_ =	shalt  }
0x3f: {  	_ =	shalt  }
0x40: {  	_ =	shalt  }
0x41: {  	_ =	shalt  }
0x42: {  	_ =	shalt  }
0x43: {  	_ =	shalt  }
0x44: {  	_ =	shalt  }
0x45: {  	_ =	shalt  }
0x46: {  	_ =	shalt  }
0x47: {  	_ =	shalt  }
0x48: {  	_ =	shalt  }
0x49: {  	_ =	shalt  }
0x4a: {  	_ =	shalt  }
0x4b: {  	_ =	shalt  }
0x4c: {  	_ =	shalt  }
0x4d: {  	_ =	shalt  }
0x4e: {  	_ =	shalt  }
0x4f: {  	_ =	shalt  }
0x50: {  	_ =	shalt  }
0x51: {  	_ =	shalt  }
0x52: {  	_ =	shalt  }
0x53: {  	_ =	shalt  }
0x54: {  	_ =	shalt  }
0x55: {  	_ =	shalt  }
0x56: {  	_ =	shalt  }
0x57: {  	_ =	shalt  }
0x58: {  	_ =	shalt  }
0x59: {  	_ =	shalt  }
0x5a: {  	_ =	shalt  }
0x5b: {  	_ =	shalt  }
0x5c: {  	_ =	shalt  }
0x5d: {  	_ =	shalt  }
0x5e: {  	_ =	shalt  }
0x5f: {  	_ =	shalt  }
0x60: {  	_ =	shalt  }
0x61: {  	_ =	shalt  }
0x62: {  	_ =	shalt  }
0x63: {  	_ =	shalt  }
0x64: {  	_ =	shalt  }
0x65: {  	_ =	shalt  }
0x66: {  	_ =	shalt  }
0x67: {  	_ =	shalt  }
0x68: {  	_ =	shalt  }
0x69: {  	_ =	shalt  }
0x6a: {  	_ =	shalt  }
0x6b: {  	_ =	shalt  }
0x6c: {  	_ =	shalt  }
0x6d: {  	_ =	shalt  }
0x6e: {  	_ =	shalt  }
0x6f: {  	_ =	shalt  }
0x70: {  	_ =	shalt  }
0x71: {  	_ =	shalt  }
0x72: {  	_ =	shalt  }
0x73: {  	_ =	shalt  }
0x74: {  	_ =	shalt  }
0x75: {  	_ =	shalt  }
0x76: {  	_ =	shalt  }
0x77: {  	_ =	shalt  }
0x78: {  	_ =	shalt  }
0x79: {  	_ =	shalt  }
0x7a: {  	_ =	shalt  }
0x7b: {  	_ =	shalt  }
0x7c: {  	_ =	shalt  }
0x7d: {  	_ =	shalt  }
0x7e: {  	_ =	shalt  }
0x7f: {  	_ =	shalt  }
0x80: {  	_ =	shalt  }
0x81: {  	_ =	shalt  }
0x82: {  	_ =	shalt  }
0x83: {  	_ =	shalt  }
0x84: {  	_ =	shalt  }
0x85: {  	_ =	shalt  }
0x86: {  	_ =	shalt  }
0x87: {  	_ =	shalt  }
.Lfunc_end0:
.L_simem_size_0:
called_computation_lowered:
.L_overlay_start_0:
0x88: {  	s2 =	sld [smem:$0x3FD9]  }
0x89: {  	s3 =	sld [smem:$0x3FFE];
	_ =	sdelay $0x1  }
0x8a: {  	s1 =	srdreg.scid  }
0x8b: {  	s0 =	sand.u32 $0x1, s1  }
0x8c: {  	s16 =	sshll.u32 s0, $0xA;
	s2 =	sadd.s32 s3, s2  }
0x8d: {  	s2 =	sadd.s32 s2, s16  }
0x8e: {  	[smem:$0x3FC0] =	sst s2  }
0x8f: {  	_ = 	snop  }
0x90: {  	(tm) =	ssettm $0x1  }
0x91: {  	s17 =	sld [smem:$0x3FFB];
	_ =	sdelay $0x3  }
0x92: {  	_ =	strace s17  }
0x93: {  	s2 =	sld [smem:$0x3FFC];
	_ =	sdelay $0x3  }
0x94: {  	_ =	strace s2  }
0x95: {  	s2 =	sld [smem:$0x3FFD];
	_ =	sdelay $0x3  }
0x96: {  	_ =	strace s2  }
0x97: {  	_ =	strace $0x8FFFFFFF  }
0x98: {  	s18 =	sld [smem:$0x3FDB];
	_ =	sdelay $0x1  }
0x99: {  	s19 =	simm.s32 $_scs_section_size  }
0x9a: {  	s4 =	simm.s32 $_size__tile_overlayer_lowered;
	s5 =	simm.s32 $_tile_overlayer_lowered  }
0x9b: {  	s22 =	simm.s32 $0x1BFF;
	s21 =	sshll.u32 s5, $0x1;
	s2 =	sadd.s32 s19, s18  }
0x9c: {  	s6 =	simm.s32 $0x0;
	s20 =	sshll.u32 s4, $0x1;
	s4 =	sadd.s32 s21, s2  }
0x9d: {  	[timem:s6], [sflag:s22] =	dma.local [hbm:s4], s20  }
0x9e: {  	_ =	swait.ge [sflag:s22], s20  }
0x9f: {  	s3 =	ssub.s32 $0x0, s20;
	[sflag:s22] =	ssyncset.done $0x0  }
0xa0: {  	[sflag:s22] =	ssyncadd.s32 s3;
	_ =	sdelay $0x1  }
0xa1: {  	s23 =	simm.s32 $0x1B8B  }
0xa2: {  	_ =	swait.ge [sflag:s23], $0x1  }
0xa3: {  	[sflag:s23] =	ssyncset.done $0x0  }
0xa4: {  	s25 =	simm.s32 $0x1B8E;
	s24 =	sld [smem:$0x3FFE];
	[sflag:s23] =	ssyncadd.s32 $0xFFFFFFFF  }
0xa5: {  	s26 =	simm.s32 $execute0_lowered;
	[smem:$0x3FD2] =	sst s25  }
0xa6: {  	s4 =	sshll.u32 s26, $0x1;
	_ =	strace $0x80000046;
	[dreg:$0x1] =	wrdreg $0xFFFFFFFF  }
0xa7: {  	s28 =	simm.s32 $_size_execute0_lowered;
	s2 =	sadd.s32 s2, s4;
	[dreg:$0x0] =	wrdreg $0x0  }
0xa8: {  	s4 =	sshll.u32 s28, $0x1;
	[dreg:$0x2] =	wrdreg s2  }
0xa9: {  	[dreg:$0x3] =	wrdreg s4  }
0xaa: {  	[dreg:$0x4] =	wrdreg $0xC0  }
0xab: {  	_ =	task [dreg:s6], $0x5FFFF  }
0xac: {  	[dreg:$0x1] =	wrdreg $0xFFFFFFFF  }
0xad: {  	[dreg:$0x0] =	wrdreg $0x60  }
0xae: {  	[dreg:$0x2] =	wrdreg s24  }
0xaf: {  	[dreg:$0x3] =	wrdreg $0x77100  }
0xb0: {  	[dreg:$0x4] =	wrdreg $0x9  }
0xb1: {  	_ =	task.clear_ibuf [dreg:s6], $0x5FFFF;
	_ =	strace $0x90000046  }
0xb2: {  	s29 =	simm.s32 $0x9;
	_ =	strace $0x80000048  }
0xb3: {  	_ =	swait.ge [sflag:s29], $0x1  }
0xb4: {  	[sflag:s29] =	ssyncadd.s32 $0xFFFFFFFF  }
0xb5: {  	_ =	strace $0x90000048  }
0xb6: {  	_ =	sfence  }
0xb7: {  	s30 =	sld [smem:$0x0];
	_ =	sdelay $0x2  }
0xb8: {  	s31 =	sshll.u32 s1, $0xD;
	s1 =	sshrl.u32 s1, $0x2  }
0xb9: {  	s3 =	sand.u32 $0x4000, s31;
	s1 =	sadd.s32 s1, s30  }
0xba: {  	s0 =	sor.u32 s3, s0;
	s1 =	sshll.u32 s1, $0x11  }
0xbb: {  	s0 =	sor.u32 s1, s0  }
0xbc: {  	s0 =	sadd.s32 $0x8F2B, s0  }
0xbd: {  	[sflag:s0] =	ssyncadd.remote.s32 $0x1  }
0xbe: {  	_ =	sfence.sel $0xFFFF  }
0xbf: {  	[dreg:$0x0] =	wrdreg $0xFFFFFFFF;
	(pc) =	sbr.abs _section_cstart, $3  }
0xc0: {  	[dreg:$0x1] =	wrdreg $0xFFFFFFFF  }
0xc1: {  	_ =	task.clear_ibuf [dreg:s6], $0x2FFFF;
	_ =	strace $0x9FFFFFFF  }
0xc2: {  	(tm) =	ssettm $0x7FFFFFFF  }
0xc3: {  	_ =	shalt  }
tec
execute0_lowered:
.L_overlay_start_1:
0x0: {  	(tag) =	ssettag $0x1  }
0x1: {  	s4 =	rddreg [dreg:$0x0];
	s0 =	srdreg.scid  }
0x2: {  	s2 =	rddreg [dreg:$0x1];
	s1 =	stileid.u32  }
0x3: {  	s3 =	simm.s32 $0x0;
	s10 =	simm.s32 $0x80;
	s5 =	sand.u32 $0x1, s0  }
0x4: {  	s0 =	rddreg [dreg:$0x2];
	s6 =	smul.u32 $0x280, s1;
	s7 =	sshll.u32 s5, $0x4  }
0x5: {  	[smem:$0x7FF] =	sst s3;
	s8 =	smul.u32 $0x2800, s5;
	s7 =	sor.u32 s1, s7  }
0x6: {  	s11 =	sshll.u32 s1, $0x6;
	_ =	strace $0x80000047;
	s7 =	smul.u32 $0x2710, s7  }
0x7: {  	s5 =	ssub.s32 $0x2, s5;
	s11 =	sor.u32 $0x1C01, s11;
	s8 =	sadd.s32 s6, s8  }
0x8: {  	s9 =	sshrl.u32 s5, $0x1;
	s8 =	sshrl.u32 s8, $0x3;
	s7 =	sshrl.u32 s7, $0x3  }
0x9: {  	s9 =	ssub.s32 s5, s9;
	s8 =	sadd.s32 s8, s4;
	s31 =	sadd.s32 s4, s7  }
0xa: {  	s4 =	sadd.s32 s6, s2;
	s6 =	sadd.s32 $0x15800, s8;
	s7 =	smax.u32 s9, $0x1  }
0xb: {  	v0 =	vimm.f32 $0.0e+00;
	v1 =	vlaneseq.u32;
	v2 =	vimm.f32 $1.000000000e+00;
	s8 =	simm.s32 $0x2710;
	s9 =	simm.s32 $0x1;
	s5 =	sadd.s32 $0xBA40, s31  }
.LBB2_1:
0xc: {  	s12 =	simm.s32 $0x40;
	s13 =	simm.s32 $0x0  }
.LBB2_2:
0xd: {  	p0 =	sne.s32 s12, $0x9FC0;
	[tilespmem:s13+$0x2710] =	vst v0;
	s13 =	smov.u32 s12;
	s12 =	sadd.s32 $0x40, s12  }
.Ltmp0:
0xe: {  	(pc) =	sbr.rel @p0 .LBB2_2-.Ltmp0, $2  }
0xf: {  	_ =	sdelay $0x2  }
0x10: {  	s13 =	sshra.s32 s13, $0x2  }
0x11: {  	[tilespmem:s13+$0x2710] =	vst v0  }
0x12: {  	[spmem:s4] =	stream.linear.scatter [tilespmem:s8], [sflag:$0x1], $0x280, $0x38;
	[tilespmem:$0x7990] =	vst v63  }
0x13: {  	_ =	swait.ge [sflag:s9], $0x280  }
0x14: {  	s25 =	simm.s32 $0x70;
	[sflag:s9] =	ssyncset.done $0x0  }
0x15: {  	s12 =	simm.s32 $0x4F50;
	s14 =	simm.s32 $0x10;
	v3 =	vor.u32 s25, v1;
	[sflag:s9] =	ssyncadd.s32 $0xFFFFFD80  }
0x16: {  	s26 =	simm.s32 $0x20;
	v4 =	vor.u32 s14, v1;
	[tilespmem:s12+$0x30] =	vst v3  }
0x17: {  	s31 =	simm.s32 $0x60;
	[tilespmem:s12+$0xFFFFFFD0] =	vst v4;
	v3 =	vor.u32 s26, v1  }
0x18: {  	s28 =	simm.s32 $0x30;
	v4 =	vor.u32 s31, v1;
	[tilespmem:s12+$0xFFFFFFE0] =	vst v3  }
0x19: {  	s29 =	simm.s32 $0x40;
	v3 =	vor.u32 s28, v1;
	[tilespmem:s12+$0x20] =	vst v4  }
0x1a: {  	s30 =	simm.s32 $0x50;
	[tilespmem:s12+$0xFFFFFFF0] =	vst v3;
	v3 =	vor.u32 s29, v1  }
0x1b: {  	s16 =	simm.s32 $0x0;
	[tilespmem:s12+$0x0] =	vst v3;
	v3 =	vor.u32 s30, v1  }
0x1c: {  	s13 =	simm.s32 $0x80;
	s15 =	simm.s32 $0xF0;
	s14 =	simm.s32 $0x100;
	[tilespmem:s12+$0x10] =	vst v3;
	v3 =	vor.u32 s16, v1  }
.LBB2_4:
0x1d: {  	p0 =	sne.s32 s14, $0x2780;
	s16 =	sadd.s32 $0x10, s13;
	v4 =	vor.u32 s15, v1;
	[tilespmem:s12+$0xFFFFFFC0] =	vst v3;
	s12 =	sadd.s32 $0x80, s12  }
0x1e: {  	s15 =	sadd.s32 $0x20, s13;
	v3 =	vor.u32 s16, v1;
	[tilespmem:s12+$0x30] =	vst v4  }
0x1f: {  	[tilespmem:s12+$0xFFFFFFD0] =	vst v3;
	v3 =	vor.u32 s15, v1;
	s15 =	sadd.s32 $0x30, s13  }
.Ltmp1:
0x20: {  	[tilespmem:s12+$0xFFFFFFE0] =	vst v3;
	v3 =	vor.u32 s15, v1;
	s15 =	sadd.s32 $0x40, s13;
	(pc) =	sbr.rel @p0 .LBB2_4-.Ltmp1, $4  }
0x21: {  	[tilespmem:s12+$0xFFFFFFF0] =	vst v3;
	v3 =	vor.u32 s15, v1;
	s15 =	sadd.s32 $0x50, s13  }
0x22: {  	[tilespmem:s12+$0x0] =	vst v3;
	v3 =	vor.u32 s15, v1;
	s15 =	sadd.s32 $0x60, s13  }
0x23: {  	[tilespmem:s12+$0x10] =	vst v3;
	v4 =	vor.u32 s15, v1  }
0x24: {  	s15 =	sadd.s32 $0x70, s14;
	v3 =	vor.u32 s13, v1;
	s13 =	smov.u32 s14;
	s14 =	sadd.s32 $0x80, s14;
	[tilespmem:s12+$0x20] =	vst v4  }
0x25: {  	v4 =	vor.u32 s15, v1;
	[tilespmem:s12+$0xFFFFFFC0] =	vst v3;
	s25 =	sadd.s32 $0x80, s12  }
0x26: {  	s14 =	sadd.s32 $0x10, s13;
	v63 =	vor.u32 s13, v1;
	[tilespmem:s25+$0x30] =	vst v4  }
0x27: {  	s26 =	sadd.s32 $0x20, s13;
	v3 =	vor.u32 s14, v1;
	[tilespmem:s25+$0xFFFFFFC0] =	vst v63  }
0x28: {  	s28 =	sadd.s32 $0x30, s13;
	[tilespmem:s25+$0xFFFFFFD0] =	vst v3;
	v3 =	vor.u32 s26, v1  }
0x29: {  	s29 =	sadd.s32 $0x40, s13;
	[tilespmem:s25+$0xFFFFFFE0] =	vst v3;
	v3 =	vor.u32 s28, v1  }
0x2a: {  	s30 =	sadd.s32 $0x50, s13;
	[tilespmem:s25+$0xFFFFFFF0] =	vst v3;
	v3 =	vor.u32 s29, v1  }
0x2b: {  	s31 =	sadd.s32 $0x60, s13;
	[tilespmem:s25+$0x0] =	vst v3;
	v3 =	vor.u32 s30, v1  }
0x2c: {  	[tilespmem:s25+$0x10] =	vst v3;
	v3 =	vor.u32 s31, v1  }
0x2d: {  	[tilespmem:s25+$0x20] =	vst v3  }
0x2e: {  	s12 =	simm.s32 $0x0;
	[bflag:$0x0] =	sbarrier.arrive $0xFFFF  }
0x2f: {  	[tilespmem:s12], [sflag:$0x1] =	stream.linear.gather [hbm4b:s5+s12], $0x2710, $0x38;
	[tilespmem:$0x7990] =	vst v63  }
0x30: {  	_ =	swait.ge [sflag:s9], $0x2710  }
0x31: {  	[sflag:s9] =	ssyncset.done $0x0  }
0x32: {  	[sflag:s9] =	ssyncadd.s32 $0xFFFFD8F0  }
.LBB2_6:
0x33: {  	s13 =	sshra.s32 s12, $0x2  }
0x34: {  	v3 =	vld [tilespmem:s13+$0x0];
	_ =	sdelay $0x7  }
0x35: {  	[tilespmem:v3+s8+$0x0] =	vst.idx.add.f32.msk $0xffff, v2  }
0x36: {  	v3 =	vld [tilespmem:s13+$0x10];
	_ =	sdelay $0x7  }
0x37: {  	[tilespmem:v3+s8+$0x0] =	vst.idx.add.f32.msk $0xffff, v2  }
0x38: {  	v3 =	vld [tilespmem:s13+$0x20];
	_ =	sdelay $0x7  }
0x39: {  	[tilespmem:v3+s8+$0x0] =	vst.idx.add.f32.msk $0xffff, v2  }
0x3a: {  	v3 =	vld [tilespmem:s13+$0x30];
	_ =	sdelay $0x7  }
0x3b: {  	[tilespmem:v3+s8+$0x0] =	vst.idx.add.f32.msk $0xffff, v2  }
0x3c: {  	v3 =	vld [tilespmem:s13+$0x40];
	_ =	sdelay $0x7  }
0x3d: {  	[tilespmem:v3+s8+$0x0] =	vst.idx.add.f32.msk $0xffff, v2  }
0x3e: {  	v3 =	vld [tilespmem:s13+$0x50];
	_ =	sdelay $0x7  }
0x3f: {  	[tilespmem:v3+s8+$0x0] =	vst.idx.add.f32.msk $0xffff, v2  }
0x40: {  	v3 =	vld [tilespmem:s13+$0x60];
	_ =	sdelay $0x7  }
0x41: {  	[tilespmem:v3+s8+$0x0] =	vst.idx.add.f32.msk $0xffff, v2  }
0x42: {  	v3 =	vld [tilespmem:s13+$0x70];
	_ =	sdelay $0x2  }
0x43: {  	p0 =	sne.s32 s12, $0x9A00  }
.Ltmp2:
0x44: {  	_ = 	snop;
	(pc) =	sbr.rel @p0 .LBB2_6-.Ltmp2, $2  }
0x45: {  	_ =	sdelay $0x2  }
0x46: {  	s12 =	sadd.s32 $0x200, s12;
	[tilespmem:v3+s8+$0x0] =	vst.idx.add.f32.msk $0xffff, v2  }
0x47: {  	v3 =	vld [tilespmem:$0x2700];
	_ =	sdelay $0x7  }
0x48: {  	s12 =	simm.s32 $0x2710;
	s13 =	simm.s32 $0x4F10;
	[tilespmem:v3+s8+$0x0] =	vst.idx.add.f32.msk $0xffff, v2  }
0x49: {  	[spmem:s2] =	stream.indirect.scatter.add.f32 [tilespmem:s12], [sflag:$0x1], $0x1, s13, s10, $0xb8;
	[tilespmem:$0x7990] =	vst v63  }
0x4a: {  	s12 =	simm.s32 $0x200;
	_ =	swait.ge [sflag:s9], $0x80  }
.LBB2_8:
0x4b: {  	s13 =	sshra.s32 s12, $0x2  }
0x4c: {  	[sflag:s9] =	ssyncset.done $0x0;
	p0 =	sne.s32 s12, $0x9E00;
	s14 =	sadd.s32 $0x2710, s13  }
.Ltmp3:
0x4d: {  	s13 =	sadd.s32 $0x4F10, s13;
	[sflag:s9] =	ssyncadd.s32 $0xFFFFFF80;
	(pc) =	sbr.rel @p0 .LBB2_8-.Ltmp3, $3  }
0x4e: {  	[spmem:s2] =	stream.indirect.scatter.add.f32 [tilespmem:s14], [sflag:$0x1], $0x1, s13, s10, $0xb8;
	[tilespmem:$0x7990] =	vst v63  }
0x4f: {  	s12 =	sadd.s32 $0x200, s12;
	_ =	sdelay $0x1  }
0x50: {  	_ =	swait.ge [sflag:s9], $0x80  }
0x51: {  	[sflag:s9] =	ssyncset.done $0x0;
	s3 =	sadd.s32 $0x1, s3  }
0x52: {  	[sflag:s9] =	ssyncadd.s32 $0xFFFFFF80;
	p0 =	sne.s32 s3, s7  }
.Ltmp4:
0x53: {  	s12 =	sshrl.u32 s4, $0x3;
	[bflag:$0x0] =	sbarrier.arrive $0xFFFF;
	(pc) =	sbr.rel @p0 .LBB2_1-.Ltmp4, $4  }
0x54: {  	[hbm:s6], [sflag:s11] =	dma.local [spmem:s12], $0x50  }
0x55: {  	_ =	swait.ge [sflag:s9], $0x50  }
0x56: {  	[sflag:s9] =	ssyncset.done $0x0  }
0x57: {  	[sflag:s9] =	ssyncadd.s32 $0xFFFFFFB0  }
0x58: {  	_ =	sfence.sel $0x180000  }
0x59: {  	[bflag:$0x0] =	sbarrier.arrive $0xFFFF  }
0x5a: {  	p0 =	sne.s32 s1, $0x0;
	_ =	strace $0x90000047  }
0x5b: {  	s0 =	sadd.s32 @!p0 $0x100000, s0;
	[bflag:$0x2] =	sbarrier.arrive $0xFFFF  }
0x5c: {  	[sflag:s0] =	ssyncadd.tile.s32 @!p0 $0x1;
	_ =	shalt  }
.Lfunc_end2:
_tile_overlayer_lowered:
.L_overlay_start_2:
0x5d: {  	(tag) =	ssettag $0x2  }
0x5e: {  	s0 =	rddreg [dreg:$0x0];
	s2 =	stileid.u32  }
0x5f: {  	s1 =	rddreg [dreg:$0x1];
	p0 =	sne.s32 s2, $0x0  }
0x60: {  	s3 =	rddreg [dreg:$0x2];
	[bflag:$0x3] =	sbarrier.arrive $0xFFFF;
	s2 =	simm.s32 @!p0 $0x1C01  }
0x61: {  	[timem:s3], [sflag:s2] =	dma.local @!p0 [hbm:s0], s1  }
0x62: {  	s0 =	simm.s32 @!p0 $0x1  }
0x63: {  	_ =	swait.ge @!p0 [sflag:s0], s1  }
0x64: {  	s1 =	ssub.s32 @!p0 $0x0, s1;
	[sflag:s0] =	ssyncset.done @!p0 $0x0  }
0x65: {  	[sflag:s0] =	ssyncadd.s32 @!p0 s1  }
0x66: {  	[bflag:$0x3] =	sbarrier.arrive $0xFFFF  }
0x67: {  	_ =	shalt  }

</sc_bundles>
